<compile_context>
chip_gen: v7x
topology: tpu7x:2x2x1
jax: 0.10.2.dev20260603
libtpu: 0.0.44.dev20260713+nightly
codegen_flags: <defaults>
</compile_context>

<pallas_src>
import functools
import jax
import jax.numpy as jnp
from jax import lax
from jax.experimental import pallas as pl
from jax.experimental.pallas import tpu as pltpu
from jax.experimental.pallas import tpu_sc as plsc

N_NODES = 10000
D = 128
E = 320000
NW = 32
TILES = 16
CHUNK = 128
CHUNKS = 80
STAGE = 40
E_PAD = NW * CHUNKS * CHUNK
N_PAD = 10240
ROWS_PER_TILE = N_PAD // TILES

_mesh = plsc.VectorSubcoreMesh(core_axis_name="c", subcore_axis_name="s")


@functools.partial(
    pl.kernel,
    out_type=jax.ShapeDtypeStruct((NW, N_PAD), jnp.float32),
    mesh=_mesh,
    compiler_params=pltpu.CompilerParams(needs_layout_passes=False),
    scratch_types=[
        pltpu.VMEM((CHUNKS, CHUNK), jnp.int32),
        pltpu.VMEM((N_PAD,), jnp.float32),
    ],
)
def _deg_kernel(dst_hbm, out_hbm, idx_v, deg_v):
    cid = lax.axis_index("c")
    sid = lax.axis_index("s")
    wid = cid * TILES + sid
    for q in range(CHUNKS // STAGE):
        pltpu.sync_copy(dst_hbm.at[wid, q],
                        idx_v.at[pl.ds(q * STAGE, STAGE)])
    z16 = jnp.zeros((16,), jnp.float32)

    def zbody(i, _):
        deg_v[pl.ds(i * 16, 16)] = z16
        return 0

    lax.fori_loop(0, N_PAD // 16, zbody, 0)
    ones16 = jnp.ones((16,), jnp.float32)

    def body(j, _):
        for k in range(CHUNK // 16):
            idx16 = idx_v[j, pl.ds(k * 16, 16)]
            plsc.addupdate_scatter(deg_v, [idx16], ones16)
        return 0

    lax.fori_loop(0, CHUNKS, body, 0)
    pltpu.sync_copy(deg_v, out_hbm.at[wid])


@functools.partial(
    pl.kernel,
    out_type=jax.ShapeDtypeStruct((2, N_PAD, D), jnp.float32),
    mesh=_mesh,
    scratch_types=[
        pltpu.VMEM((STAGE, CHUNK), jnp.int32),
        pltpu.VMEM((STAGE, CHUNK), jnp.int32),
        pltpu.VMEM((CHUNK, D), jnp.float32),
        pltpu.VMEM((CHUNK, D), jnp.float32),
        pltpu.VMEM_SHARED((N_PAD, D), jnp.float32),
        pltpu.SemaphoreType.DMA,
        pltpu.SemaphoreType.DMA,
    ],
)
def _agg_kernel(xs_hbm, src_hbm, dst_hbm, zero_hbm, out_hbm,
                src_v, dst_v, rows0_v, rows1_v, acc_sh, sem0, sem1):
    cid = lax.axis_index("c")
    sid = lax.axis_index("s")
    wid = cid * TILES + sid
    pltpu.sync_copy(zero_hbm.at[pl.ds(sid * ROWS_PER_TILE, ROWS_PER_TILE)],
                    acc_sh.at[pl.ds(sid * ROWS_PER_TILE, ROWS_PER_TILE)])
    plsc.subcore_barrier()

    for q in range(CHUNKS // STAGE):
        pltpu.sync_copy(src_hbm.at[wid, q], src_v)
        pltpu.sync_copy(dst_hbm.at[wid, q], dst_v)

        def body(g, _):
            j0 = 2 * g
            d0 = pltpu.async_copy(xs_hbm.at[src_v.at[j0]], rows0_v, sem0)
            d1 = pltpu.async_copy(xs_hbm.at[src_v.at[j0 + 1]], rows1_v, sem1)
            d0.wait()
            pltpu.sync_copy(rows0_v, acc_sh.at[dst_v.at[j0]], add=True)
            d1.wait()
            pltpu.sync_copy(rows1_v, acc_sh.at[dst_v.at[j0 + 1]], add=True)
            return 0

        lax.fori_loop(0, STAGE // 2, body, 0)
    plsc.subcore_barrier()
    pltpu.sync_copy(acc_sh.at[pl.ds(sid * ROWS_PER_TILE, ROWS_PER_TILE)],
                    out_hbm.at[cid, pl.ds(sid * ROWS_PER_TILE, ROWS_PER_TILE)])


def _tc1_body(x_ref, w_ref, degp_ref, xs_ref, dinv_ref):
    deg = jnp.sum(degp_ref[...], axis=0) + 1.0
    dinv = lax.rsqrt(deg)
    dinv_ref[...] = dinv
    xw = jnp.dot(x_ref[...], w_ref[...], preferred_element_type=jnp.float32)
    xs_ref[...] = xw * dinv[:N_NODES, None]


def _tc2_body(p_ref, xs_ref, dinv_ref, b_ref, w_ref, xs2_ref):
    dinv = dinv_ref[...][:N_NODES, None]
    acc = p_ref[0, :N_NODES, :] + p_ref[1, :N_NODES, :] + xs_ref[...]
    h = jnp.maximum(dinv * acc + b_ref[...][None, :], 0.0)
    xs2_ref[...] = jnp.dot(h, w_ref[...], preferred_element_type=jnp.float32) * dinv


def _tc3_body(p_ref, xs_ref, dinv_ref, b_ref, out_ref):
    dinv = dinv_ref[...][:N_NODES, None]
    acc = p_ref[0, :N_NODES, :] + p_ref[1, :N_NODES, :] + xs_ref[...]
    out_ref[...] = dinv * acc + b_ref[...][None, :]


def _tc_call(body, out_shape, *args):
    return pl.pallas_call(body, out_shape=out_shape)(*args)


def kernel(x, edge_index, W1, b1, W2, b2):
    ei = edge_index.astype(jnp.int32)
    pad = E_PAD - E
    fill = jnp.arange(pad, dtype=jnp.int32) % N_NODES
    src = jnp.concatenate([ei[0], fill])
    junk = N_NODES + (jnp.arange(pad, dtype=jnp.int32) % (N_PAD - N_NODES))
    dst = jnp.concatenate([ei[1], junk])
    src3 = src.reshape(NW, CHUNKS // STAGE, STAGE, CHUNK)
    dst3 = dst.reshape(NW, CHUNKS // STAGE, STAGE, CHUNK)
    zeros = jnp.zeros((N_PAD, D), jnp.float32)

    degp = _deg_kernel(dst3)
    xs1, dinv = _tc_call(
        _tc1_body,
        (jax.ShapeDtypeStruct((N_NODES, D), jnp.float32),
         jax.ShapeDtypeStruct((N_PAD,), jnp.float32)),
        x, W1, degp)
    parts1 = _agg_kernel(xs1, src3, dst3, zeros)
    xs2 = _tc_call(
        _tc2_body,
        jax.ShapeDtypeStruct((N_NODES, D), jnp.float32),
        parts1, xs1, dinv, b1, W2)
    parts2 = _agg_kernel(xs2, src3, dst3, zeros)
    out = _tc_call(
        _tc3_body,
        jax.ShapeDtypeStruct((N_NODES, D), jnp.float32),
        parts2, xs2, dinv, b2)
    return out

# --- scband reference (transcript-rebuilt; emitter-appended) ---
"""Pipeline reference for scband-gcn-17343077941655 (READ-ONLY COPY).

The authoritative reference and input builder live on the scoring server;
editing this copy changes nothing except your own understanding.
"""

import jax, jax.numpy as jnp
import numpy as np

N_NODES = 10000
N_EDGES = 320000
D_IN = 128
D_HID = 128
D_OUT = 128


def _gcn_conv(x, edge_index, W, b, num_nodes):
    # PyG GCNConv: add self-loops, symmetric normalization, linear transform, scatter-add aggregate
    src = edge_index[0]
    dst = edge_index[1]
    loop = jnp.arange(num_nodes, dtype=edge_index.dtype)
    src = jnp.concatenate([src, loop])
    dst = jnp.concatenate([dst, loop])
    deg = jnp.zeros((num_nodes,), dtype=x.dtype).at[dst].add(1.0)
    dinv = jnp.where(deg > 0, deg ** -0.5, 0.0)
    norm = dinv[src] * dinv[dst]
    xw = x @ W
    msg = xw[src] * norm[:, None]
    out = jnp.zeros((num_nodes, W.shape[1]), dtype=x.dtype).at[dst].add(msg)
    return out + b


def setup_inputs(seed: int = 0) -> dict:
    key = jax.random.key(seed)
    k1, k2, k3, k4, k5, k6 = jax.random.split(key, 6)
    x = jax.random.normal(k1, (N_NODES, D_IN), dtype=jnp.float32)
    edge_index = jax.random.randint(k2, (2, N_EDGES), 0, N_NODES, dtype=jnp.int64)
    s1 = (1.0 / D_IN) ** 0.5
    W1 = jax.random.uniform(k3, (D_IN, D_HID), minval=-s1, maxval=s1, dtype=jnp.float32)
    b1 = jnp.zeros((D_HID,), dtype=jnp.float32)
    s2 = (1.0 / D_HID) ** 0.5
    W2 = jax.random.uniform(k4, (D_HID, D_OUT), minval=-s2, maxval=s2, dtype=jnp.float32)
    b2 = jnp.zeros((D_OUT,), dtype=jnp.float32)
    return {"x": x, "edge_index": edge_index, "W1": W1, "b1": b1, "W2": W2, "b2": b2}


def reference(x, edge_index, W1, b1, W2, b2):
    h = _gcn_conv(x, edge_index, W1, b1, N_NODES)
    h = jax.nn.relu(h)
    # dropout is identity in eval mode (deterministic reference)
    out = _gcn_conv(h, edge_index, W2, b2, N_NODES)
    return out

if __name__ == "__main__":
    import jax
    _d = setup_inputs()
    print(jax.jit(kernel)(*tuple(_d.values())))

</pallas_src>

<mosaic_0001>
#map = affine_map<(d0, d1) -> (0, 0)>
#map1 = affine_map<(d0, d1) -> (0, 0, 0, 0)>
#map2 = affine_map<(d0, d1) -> (0, 0, 0)>
module attributes {stable_mosaic.version = 14 : i64} {
  func.func @_agg_kernel(%arg0: i32, %arg1: i32, %arg2: memref<10000x128xf32, #tpu.memory_space<hbm>>, %arg3: memref<32x2x40x128xi32, #tpu.memory_space<hbm>>, %arg4: memref<32x2x40x128xi32, #tpu.memory_space<hbm>>, %arg5: memref<10240x128xf32, #tpu.memory_space<hbm>>, %arg6: memref<2x10240x128xf32, #tpu.memory_space<hbm>>, %arg7: memref<40x128xi32, #tpu.memory_space<vmem>>, %arg8: memref<40x128xi32, #tpu.memory_space<vmem>>, %arg9: memref<128x128xf32, #tpu.memory_space<vmem>>, %arg10: memref<128x128xf32, #tpu.memory_space<vmem>>, %arg11: memref<10240x128xf32, #tpu.memory_space<vmem_shared>>, %arg12: memref<!tpu.dma_semaphore, #tpu.memory_space<semaphore_mem>>, %arg13: memref<!tpu.dma_semaphore, #tpu.memory_space<semaphore_mem>>) attributes {dimension_semantics = [#tpu.dimension_semantics<core_parallel>, #tpu.dimension_semantics<subcore_parallel>], iteration_bounds = array<i64: 2, 16>, scalar_prefetch = 0 : i64, scratch_operands = 7 : i64, tpu.core_type = #tpu.core_type<sc_vector_subcore>, window_params = [{transform_indices = #map}, {transform_indices = #map1}, {transform_indices = #map1}, {transform_indices = #map}, {transform_indices = #map2}]} {
    %mul3A = arith.constant 16 : i32
    %mul3A_0 = arith.muli %arg0, %mul3A : i32
    %add3A = arith.addi %mul3A_0, %arg1 : i32
    %mul3A_1 = arith.constant 640 : i32
    %mul3A_2 = arith.muli %arg1, %mul3A_1 : i32
    %mul3A_3 = arith.constant 640 : i32
    %mul3A_4 = arith.muli %arg1, %mul3A_3 : i32
    "tpu.region"() ({
      %run_scoped3A_26 = tpu.sem_alloc : memref<!tpu.dma_semaphore, #tpu.memory_space<semaphore_mem>>
      %dma_start3A = arith.constant 0 : i32
      %dma_start3A_27 = tpu.memref_slice %arg11[%mul3A_4, %dma_start3A] : memref<10240x128xf32, #tpu.memory_space<vmem_shared>> -> memref<640x128xf32, #tpu.memory_space<vmem_shared>>
      %dma_start3A_28 = arith.constant 0 : i32
      %dma_start3A_29 = tpu.memref_slice %arg5[%mul3A_2, %dma_start3A_28] : memref<10240x128xf32, #tpu.memory_space<hbm>> -> memref<640x128xf32, #tpu.memory_space<hbm>>
      tpu.enqueue_dma source(%dma_start3A_29 : memref<640x128xf32, #tpu.memory_space<hbm>>) target(%dma_start3A_27 : memref<640x128xf32, #tpu.memory_space<vmem_shared>>) target_semaphore(%run_scoped3A_26 : memref<!tpu.dma_semaphore, #tpu.memory_space<semaphore_mem>>)
      %dma_wait3A = arith.constant 0 : i32
      %dma_wait3A_30 = tpu.memref_slice %arg11[%mul3A_4, %dma_wait3A] : memref<10240x128xf32, #tpu.memory_space<vmem_shared>> -> memref<640x128xf32, #tpu.memory_space<vmem_shared>>
      %dma_wait3A_31 = arith.constant 0 : i32
      %dma_wait3A_32 = tpu.memref_slice %arg5[%mul3A_2, %dma_wait3A_31] : memref<10240x128xf32, #tpu.memory_space<hbm>> -> memref<640x128xf32, #tpu.memory_space<hbm>>
      tpu.wait_dma2 semaphore(%run_scoped3A_26 : memref<!tpu.dma_semaphore, #tpu.memory_space<semaphore_mem>>) src(%dma_wait3A_32 : memref<640x128xf32, #tpu.memory_space<hbm>>) dst(%dma_wait3A_30 : memref<640x128xf32, #tpu.memory_space<vmem_shared>>)
      tpu.yield
    }) : () -> ()
    %barrier3A = arith.constant 0 : index
    tpu.barrier barrier_id(%barrier3A)
    %run_scoped3A = arith.constant 0 : i32
    "tpu.region"() ({
      %run_scoped3A_26 = tpu.sem_alloc : memref<!tpu.dma_semaphore, #tpu.memory_space<semaphore_mem>>
      %dma_start3A = arith.constant 0 : i32
      %dma_start3A_27 = arith.constant 0 : i32
      %dma_start3A_28 = tpu.memref_slice %arg3[%add3A, %run_scoped3A, %dma_start3A, %dma_start3A_27] : memref<32x2x40x128xi32, #tpu.memory_space<hbm>> -> memref<1x1x40x128xi32, #tpu.memory_space<hbm>>
      %dma_start3A_29 = tpu.memref_squeeze %dma_start3A_28 : memref<1x1x40x128xi32, #tpu.memory_space<hbm>> -> memref<40x128xi32, #tpu.memory_space<hbm>>
      %dma_start3A_30 = arith.constant 0 : i32
      %dma_start3A_31 = arith.constant 0 : i32
      %dma_start3A_32 = tpu.memref_slice %arg3[%add3A, %run_scoped3A, %dma_start3A_30, %dma_start3A_31] : memref<32x2x40x128xi32, #tpu.memory_space<hbm>> -> memref<1x1x40x128xi32, #tpu.memory_space<hbm>>
      %dma_start3A_33 = tpu.memref_squeeze %dma_start3A_32 : memref<1x1x40x128xi32, #tpu.memory_space<hbm>> -> memref<40x128xi32, #tpu.memory_space<hbm>>
      tpu.enqueue_dma source(%dma_start3A_33 : memref<40x128xi32, #tpu.memory_space<hbm>>) target(%arg7 : memref<40x128xi32, #tpu.memory_space<vmem>>) target_semaphore(%run_scoped3A_26 : memref<!tpu.dma_semaphore, #tpu.memory_space<semaphore_mem>>)
      %dma_wait3A = arith.constant 0 : i32
      %dma_wait3A_34 = arith.constant 0 : i32
      %dma_wait3A_35 = tpu.memref_slice %arg3[%add3A, %run_scoped3A, %dma_wait3A, %dma_wait3A_34] : memref<32x2x40x128xi32, #tpu.memory_space<hbm>> -> memref<1x1x40x128xi32, #tpu.memory_space<hbm>>
      %dma_wait3A_36 = tpu.memref_squeeze %dma_wait3A_35 : memref<1x1x40x128xi32, #tpu.memory_space<hbm>> -> memref<40x128xi32, #tpu.memory_space<hbm>>
      %dma_wait3A_37 = arith.constant 0 : i32
      %dma_wait3A_38 = arith.constant 0 : i32
      %dma_wait3A_39 = tpu.memref_slice %arg3[%add3A, %run_scoped3A, %dma_wait3A_37, %dma_wait3A_38] : memref<32x2x40x128xi32, #tpu.memory_space<hbm>> -> memref<1x1x40x128xi32, #tpu.memory_space<hbm>>
      %dma_wait3A_40 = tpu.memref_squeeze %dma_wait3A_39 : memref<1x1x40x128xi32, #tpu.memory_space<hbm>> -> memref<40x128xi32, #tpu.memory_space<hbm>>
      tpu.wait_dma2 semaphore(%run_scoped3A_26 : memref<!tpu.dma_semaphore, #tpu.memory_space<semaphore_mem>>) src(%dma_wait3A_40 : memref<40x128xi32, #tpu.memory_space<hbm>>) dst(%arg7 : memref<40x128xi32, #tpu.memory_space<vmem>>)
      tpu.yield
    }) : () -> ()
    %run_scoped3A_5 = arith.constant 0 : i32
    "tpu.region"() ({
      %run_scoped3A_26 = tpu.sem_alloc : memref<!tpu.dma_semaphore, #tpu.memory_space<semaphore_mem>>
      %dma_start3A = arith.constant 0 : i32
      %dma_start3A_27 = arith.constant 0 : i32
      %dma_start3A_28 = tpu.memref_slice %arg4[%add3A, %run_scoped3A_5, %dma_start3A, %dma_start3A_27] : memref<32x2x40x128xi32, #tpu.memory_space<hbm>> -> memref<1x1x40x128xi32, #tpu.memory_space<hbm>>
      %dma_start3A_29 = tpu.memref_squeeze %dma_start3A_28 : memref<1x1x40x128xi32, #tpu.memory_space<hbm>> -> memref<40x128xi32, #tpu.memory_space<hbm>>
      %dma_start3A_30 = arith.constant 0 : i32
      %dma_start3A_31 = arith.constant 0 : i32
      %dma_start3A_32 = tpu.memref_slice %arg4[%add3A, %run_scoped3A_5, %dma_start3A_30, %dma_start3A_31] : memref<32x2x40x128xi32, #tpu.memory_space<hbm>> -> memref<1x1x40x128xi32, #tpu.memory_space<hbm>>
      %dma_start3A_33 = tpu.memref_squeeze %dma_start3A_32 : memref<1x1x40x128xi32, #tpu.memory_space<hbm>> -> memref<40x128xi32, #tpu.memory_space<hbm>>
      tpu.enqueue_dma source(%dma_start3A_33 : memref<40x128xi32, #tpu.memory_space<hbm>>) target(%arg8 : memref<40x128xi32, #tpu.memory_space<vmem>>) target_semaphore(%run_scoped3A_26 : memref<!tpu.dma_semaphore, #tpu.memory_space<semaphore_mem>>)
      %dma_wait3A = arith.constant 0 : i32
      %dma_wait3A_34 = arith.constant 0 : i32
      %dma_wait3A_35 = tpu.memref_slice %arg4[%add3A, %run_scoped3A_5, %dma_wait3A, %dma_wait3A_34] : memref<32x2x40x128xi32, #tpu.memory_space<hbm>> -> memref<1x1x40x128xi32, #tpu.memory_space<hbm>>
      %dma_wait3A_36 = tpu.memref_squeeze %dma_wait3A_35 : memref<1x1x40x128xi32, #tpu.memory_space<hbm>> -> memref<40x128xi32, #tpu.memory_space<hbm>>
      %dma_wait3A_37 = arith.constant 0 : i32
      %dma_wait3A_38 = arith.constant 0 : i32
      %dma_wait3A_39 = tpu.memref_slice %arg4[%add3A, %run_scoped3A_5, %dma_wait3A_37, %dma_wait3A_38] : memref<32x2x40x128xi32, #tpu.memory_space<hbm>> -> memref<1x1x40x128xi32, #tpu.memory_space<hbm>>
      %dma_wait3A_40 = tpu.memref_squeeze %dma_wait3A_39 : memref<1x1x40x128xi32, #tpu.memory_space<hbm>> -> memref<40x128xi32, #tpu.memory_space<hbm>>
      tpu.wait_dma2 semaphore(%run_scoped3A_26 : memref<!tpu.dma_semaphore, #tpu.memory_space<semaphore_mem>>) src(%dma_wait3A_40 : memref<40x128xi32, #tpu.memory_space<hbm>>) dst(%arg8 : memref<40x128xi32, #tpu.memory_space<vmem>>)
      tpu.yield
    }) : () -> ()
    %scan3A = arith.constant 0 : i32
    %scan3A_6 = arith.constant 0 : i32
    %scan3A_7 = arith.constant 20 : i32
    %scan3A_8 = arith.addi %scan3A_6, %scan3A_7 : i32
    %scan3A_9 = arith.constant 1 : i32
    %scan3A_10 = scf.for %scan3A_26 = %scan3A_6 to %scan3A_8 step %scan3A_9 iter_args(%scan3A_27 = %scan3A) -> (i32)  : i32 {
      %mul3A_28 = arith.constant 2 : i32
      %mul3A_29 = arith.muli %mul3A_28, %scan3A_26 : i32
      %dma_start3A = arith.constant 0 : i32
      %dma_start3A_30 = tpu.memref_slice %arg7[%mul3A_29, %dma_start3A] : memref<40x128xi32, #tpu.memory_space<vmem>> -> memref<1x128xi32, #tpu.memory_space<vmem>>
      %dma_start3A_31 = tpu.memref_squeeze %dma_start3A_30 : memref<1x128xi32, #tpu.memory_space<vmem>> -> memref<128xi32, #tpu.memory_space<vmem>>
      %dma_start3A_32 = arith.constant 0 : i32
      %dma_start3A_33 = arith.constant 0 : i32
      %dma_start3A_34 = tpu.memref_slice %arg2[%dma_start3A_32, %dma_start3A_33] : memref<10000x128xf32, #tpu.memory_space<hbm>> -> memref<10000x128xf32, #tpu.memory_space<hbm>>
      tpu.enqueue_indirect_dma source(%dma_start3A_34 : memref<10000x128xf32, #tpu.memory_space<hbm>>) target(%arg9 : memref<128x128xf32, #tpu.memory_space<vmem>>) offsets(%dma_start3A_31 : memref<128xi32, #tpu.memory_space<vmem>>) semaphore(%arg12 : memref<!tpu.dma_semaphore, #tpu.memory_space<semaphore_mem>>)
      %add3A_35 = arith.constant 1 : i32
      %add3A_36 = arith.addi %mul3A_29, %add3A_35 : i32
      %dma_start3A_37 = arith.constant 0 : i32
      %dma_start3A_38 = tpu.memref_slice %arg7[%add3A_36, %dma_start3A_37] : memref<40x128xi32, #tpu.memory_space<vmem>> -> memref<1x128xi32, #tpu.memory_space<vmem>>
      %dma_start3A_39 = tpu.memref_squeeze %dma_start3A_38 : memref<1x128xi32, #tpu.memory_space<vmem>> -> memref<128xi32, #tpu.memory_space<vmem>>
      %dma_start3A_40 = arith.constant 0 : i32
      %dma_start3A_41 = arith.constant 0 : i32
      %dma_start3A_42 = tpu.memref_slice %arg2[%dma_start3A_40, %dma_start3A_41] : memref<10000x128xf32, #tpu.memory_space<hbm>> -> memref<10000x128xf32, #tpu.memory_space<hbm>>
      tpu.enqueue_indirect_dma source(%dma_start3A_42 : memref<10000x128xf32, #tpu.memory_space<hbm>>) target(%arg10 : memref<128x128xf32, #tpu.memory_space<vmem>>) offsets(%dma_start3A_39 : memref<128xi32, #tpu.memory_space<vmem>>) semaphore(%arg13 : memref<!tpu.dma_semaphore, #tpu.memory_space<semaphore_mem>>)
      %dma_wait3A = arith.constant 0 : i32
      %dma_wait3A_43 = tpu.memref_slice %arg7[%mul3A_29, %dma_wait3A] : memref<40x128xi32, #tpu.memory_space<vmem>> -> memref<1x128xi32, #tpu.memory_space<vmem>>
      %dma_wait3A_44 = tpu.memref_squeeze %dma_wait3A_43 : memref<1x128xi32, #tpu.memory_space<vmem>> -> memref<128xi32, #tpu.memory_space<vmem>>
      %dma_wait3A_45 = arith.constant 0 : i32
      %dma_wait3A_46 = arith.constant 0 : i32
      %dma_wait3A_47 = tpu.memref_slice %arg2[%dma_wait3A_45, %dma_wait3A_46] : memref<10000x128xf32, #tpu.memory_space<hbm>> -> memref<10000x128xf32, #tpu.memory_space<hbm>>
      tpu.wait_indirect_dma semaphore(%arg12 : memref<!tpu.dma_semaphore, #tpu.memory_space<semaphore_mem>>) src(%dma_wait3A_47 : memref<10000x128xf32, #tpu.memory_space<hbm>>) dst(%arg9 : memref<128x128xf32, #tpu.memory_space<vmem>>)
      "tpu.region"() ({
        %run_scoped3A_57 = tpu.sem_alloc : memref<!tpu.dma_semaphore, #tpu.memory_space<semaphore_mem>>
        %dma_start3A_58 = arith.constant 0 : i32
        %dma_start3A_59 = tpu.memref_slice %arg8[%mul3A_29, %dma_start3A_58] : memref<40x128xi32, #tpu.memory_space<vmem>> -> memref<1x128xi32, #tpu.memory_space<vmem>>
        %dma_start3A_60 = tpu.memref_squeeze %dma_start3A_59 : memref<1x128xi32, #tpu.memory_space<vmem>> -> memref<128xi32, #tpu.memory_space<vmem>>
        %dma_start3A_61 = arith.constant 0 : i32
        %dma_start3A_62 = arith.constant 0 : i32
        %dma_start3A_63 = tpu.memref_slice %arg11[%dma_start3A_61, %dma_start3A_62] : memref<10240x128xf32, #tpu.memory_space<vmem_shared>> -> memref<10240x128xf32, #tpu.memory_space<vmem_shared>>
        tpu.enqueue_indirect_dma source(%arg9 : memref<128x128xf32, #tpu.memory_space<vmem>>) target(%dma_start3A_63 : memref<10240x128xf32, #tpu.memory_space<vmem_shared>>) offsets(%dma_start3A_60 : memref<128xi32, #tpu.memory_space<vmem>>) semaphore(%run_scoped3A_57 : memref<!tpu.dma_semaphore, #tpu.memory_space<semaphore_mem>>) {add = true}
        %dma_wait3A_64 = arith.constant 0 : i32
        %dma_wait3A_65 = tpu.memref_slice %arg8[%mul3A_29, %dma_wait3A_64] : memref<40x128xi32, #tpu.memory_space<vmem>> -> memref<1x128xi32, #tpu.memory_space<vmem>>
        %dma_wait3A_66 = tpu.memref_squeeze %dma_wait3A_65 : memref<1x128xi32, #tpu.memory_space<vmem>> -> memref<128xi32, #tpu.memory_space<vmem>>
        %dma_wait3A_67 = arith.constant 0 : i32
        %dma_wait3A_68 = arith.constant 0 : i32
        %dma_wait3A_69 = tpu.memref_slice %arg11[%dma_wait3A_67, %dma_wait3A_68] : memref<10240x128xf32, #tpu.memory_space<vmem_shared>> -> memref<10240x128xf32, #tpu.memory_space<vmem_shared>>
        tpu.wait_indirect_dma semaphore(%run_scoped3A_57 : memref<!tpu.dma_semaphore, #tpu.memory_space<semaphore_mem>>) src(%arg9 : memref<128x128xf32, #tpu.memory_space<vmem>>) dst(%dma_wait3A_69 : memref<10240x128xf32, #tpu.memory_space<vmem_shared>>)
        tpu.yield
      }) : () -> ()
      %dma_wait3A_48 = arith.constant 0 : i32
      %dma_wait3A_49 = tpu.memref_slice %arg7[%add3A_36, %dma_wait3A_48] : memref<40x128xi32, #tpu.memory_space<vmem>> -> memref<1x128xi32, #tpu.memory_space<vmem>>
      %dma_wait3A_50 = tpu.memref_squeeze %dma_wait3A_49 : memref<1x128xi32, #tpu.memory_space<vmem>> -> memref<128xi32, #tpu.memory_space<vmem>>
      %dma_wait3A_51 = arith.constant 0 : i32
      %dma_wait3A_52 = arith.constant 0 : i32
      %dma_wait3A_53 = tpu.memref_slice %arg2[%dma_wait3A_51, %dma_wait3A_52] : memref<10000x128xf32, #tpu.memory_space<hbm>> -> memref<10000x128xf32, #tpu.memory_space<hbm>>
      tpu.wait_indirect_dma semaphore(%arg13 : memref<!tpu.dma_semaphore, #tpu.memory_space<semaphore_mem>>) src(%dma_wait3A_53 : memref<10000x128xf32, #tpu.memory_space<hbm>>) dst(%arg10 : memref<128x128xf32, #tpu.memory_space<vmem>>)
      %add3A_54 = arith.constant 1 : i32
      %add3A_55 = arith.addi %mul3A_29, %add3A_54 : i32
      "tpu.region"() ({
        %run_scoped3A_57 = tpu.sem_alloc : memref<!tpu.dma_semaphore, #tpu.memory_space<semaphore_mem>>
        %dma_start3A_58 = arith.constant 0 : i32
        %dma_start3A_59 = tpu.memref_slice %arg8[%add3A_55, %dma_start3A_58] : memref<40x128xi32, #tpu.memory_space<vmem>> -> memref<1x128xi32, #tpu.memory_space<vmem>>
        %dma_start3A_60 = tpu.memref_squeeze %dma_start3A_59 : memref<1x128xi32, #tpu.memory_space<vmem>> -> memref<128xi32, #tpu.memory_space<vmem>>
        %dma_start3A_61 = arith.constant 0 : i32
        %dma_start3A_62 = arith.constant 0 : i32
        %dma_start3A_63 = tpu.memref_slice %arg11[%dma_start3A_61, %dma_start3A_62] : memref<10240x128xf32, #tpu.memory_space<vmem_shared>> -> memref<10240x128xf32, #tpu.memory_space<vmem_shared>>
        tpu.enqueue_indirect_dma source(%arg10 : memref<128x128xf32, #tpu.memory_space<vmem>>) target(%dma_start3A_63 : memref<10240x128xf32, #tpu.memory_space<vmem_shared>>) offsets(%dma_start3A_60 : memref<128xi32, #tpu.memory_space<vmem>>) semaphore(%run_scoped3A_57 : memref<!tpu.dma_semaphore, #tpu.memory_space<semaphore_mem>>) {add = true}
        %dma_wait3A_64 = arith.constant 0 : i32
        %dma_wait3A_65 = tpu.memref_slice %arg8[%add3A_55, %dma_wait3A_64] : memref<40x128xi32, #tpu.memory_space<vmem>> -> memref<1x128xi32, #tpu.memory_space<vmem>>
        %dma_wait3A_66 = tpu.memref_squeeze %dma_wait3A_65 : memref<1x128xi32, #tpu.memory_space<vmem>> -> memref<128xi32, #tpu.memory_space<vmem>>
        %dma_wait3A_67 = arith.constant 0 : i32
        %dma_wait3A_68 = arith.constant 0 : i32
        %dma_wait3A_69 = tpu.memref_slice %arg11[%dma_wait3A_67, %dma_wait3A_68] : memref<10240x128xf32, #tpu.memory_space<vmem_shared>> -> memref<10240x128xf32, #tpu.memory_space<vmem_shared>>
        tpu.wait_indirect_dma semaphore(%run_scoped3A_57 : memref<!tpu.dma_semaphore, #tpu.memory_space<semaphore_mem>>) src(%arg10 : memref<128x128xf32, #tpu.memory_space<vmem>>) dst(%dma_wait3A_69 : memref<10240x128xf32, #tpu.memory_space<vmem_shared>>)
        tpu.yield
      }) : () -> ()
      %scan3A_56 = arith.constant 0 : i32
      scf.yield %scan3A_56 : i32
    }
    %scan3A_11 = arith.constant 20 : i32
    %run_scoped3A_12 = arith.constant 1 : i32
    "tpu.region"() ({
      %run_scoped3A_26 = tpu.sem_alloc : memref<!tpu.dma_semaphore, #tpu.memory_space<semaphore_mem>>
      %dma_start3A = arith.constant 0 : i32
      %dma_start3A_27 = arith.constant 0 : i32
      %dma_start3A_28 = tpu.memref_slice %arg3[%add3A, %run_scoped3A_12, %dma_start3A, %dma_start3A_27] : memref<32x2x40x128xi32, #tpu.memory_space<hbm>> -> memref<1x1x40x128xi32, #tpu.memory_space<hbm>>
      %dma_start3A_29 = tpu.memref_squeeze %dma_start3A_28 : memref<1x1x40x128xi32, #tpu.memory_space<hbm>> -> memref<40x128xi32, #tpu.memory_space<hbm>>
      %dma_start3A_30 = arith.constant 0 : i32
      %dma_start3A_31 = arith.constant 0 : i32
      %dma_start3A_32 = tpu.memref_slice %arg3[%add3A, %run_scoped3A_12, %dma_start3A_30, %dma_start3A_31] : memref<32x2x40x128xi32, #tpu.memory_space<hbm>> -> memref<1x1x40x128xi32, #tpu.memory_space<hbm>>
      %dma_start3A_33 = tpu.memref_squeeze %dma_start3A_32 : memref<1x1x40x128xi32, #tpu.memory_space<hbm>> -> memref<40x128xi32, #tpu.memory_space<hbm>>
      tpu.enqueue_dma source(%dma_start3A_33 : memref<40x128xi32, #tpu.memory_space<hbm>>) target(%arg7 : memref<40x128xi32, #tpu.memory_space<vmem>>) target_semaphore(%run_scoped3A_26 : memref<!tpu.dma_semaphore, #tpu.memory_space<semaphore_mem>>)
      %dma_wait3A = arith.constant 0 : i32
      %dma_wait3A_34 = arith.constant 0 : i32
      %dma_wait3A_35 = tpu.memref_slice %arg3[%add3A, %run_scoped3A_12, %dma_wait3A, %dma_wait3A_34] : memref<32x2x40x128xi32, #tpu.memory_space<hbm>> -> memref<1x1x40x128xi32, #tpu.memory_space<hbm>>
      %dma_wait3A_36 = tpu.memref_squeeze %dma_wait3A_35 : memref<1x1x40x128xi32, #tpu.memory_space<hbm>> -> memref<40x128xi32, #tpu.memory_space<hbm>>
      %dma_wait3A_37 = arith.constant 0 : i32
      %dma_wait3A_38 = arith.constant 0 : i32
      %dma_wait3A_39 = tpu.memref_slice %arg3[%add3A, %run_scoped3A_12, %dma_wait3A_37, %dma_wait3A_38] : memref<32x2x40x128xi32, #tpu.memory_space<hbm>> -> memref<1x1x40x128xi32, #tpu.memory_space<hbm>>
      %dma_wait3A_40 = tpu.memref_squeeze %dma_wait3A_39 : memref<1x1x40x128xi32, #tpu.memory_space<hbm>> -> memref<40x128xi32, #tpu.memory_space<hbm>>
      tpu.wait_dma2 semaphore(%run_scoped3A_26 : memref<!tpu.dma_semaphore, #tpu.memory_space<semaphore_mem>>) src(%dma_wait3A_40 : memref<40x128xi32, #tpu.memory_space<hbm>>) dst(%arg7 : memref<40x128xi32, #tpu.memory_space<vmem>>)
      tpu.yield
    }) : () -> ()
    %run_scoped3A_13 = arith.constant 1 : i32
    "tpu.region"() ({
      %run_scoped3A_26 = tpu.sem_alloc : memref<!tpu.dma_semaphore, #tpu.memory_space<semaphore_mem>>
      %dma_start3A = arith.constant 0 : i32
      %dma_start3A_27 = arith.constant 0 : i32
      %dma_start3A_28 = tpu.memref_slice %arg4[%add3A, %run_scoped3A_13, %dma_start3A, %dma_start3A_27] : memref<32x2x40x128xi32, #tpu.memory_space<hbm>> -> memref<1x1x40x128xi32, #tpu.memory_space<hbm>>
      %dma_start3A_29 = tpu.memref_squeeze %dma_start3A_28 : memref<1x1x40x128xi32, #tpu.memory_space<hbm>> -> memref<40x128xi32, #tpu.memory_space<hbm>>
      %dma_start3A_30 = arith.constant 0 : i32
      %dma_start3A_31 = arith.constant 0 : i32
      %dma_start3A_32 = tpu.memref_slice %arg4[%add3A, %run_scoped3A_13, %dma_start3A_30, %dma_start3A_31] : memref<32x2x40x128xi32, #tpu.memory_space<hbm>> -> memref<1x1x40x128xi32, #tpu.memory_space<hbm>>
      %dma_start3A_33 = tpu.memref_squeeze %dma_start3A_32 : memref<1x1x40x128xi32, #tpu.memory_space<hbm>> -> memref<40x128xi32, #tpu.memory_space<hbm>>
      tpu.enqueue_dma source(%dma_start3A_33 : memref<40x128xi32, #tpu.memory_space<hbm>>) target(%arg8 : memref<40x128xi32, #tpu.memory_space<vmem>>) target_semaphore(%run_scoped3A_26 : memref<!tpu.dma_semaphore, #tpu.memory_space<semaphore_mem>>)
      %dma_wait3A = arith.constant 0 : i32
      %dma_wait3A_34 = arith.constant 0 : i32
      %dma_wait3A_35 = tpu.memref_slice %arg4[%add3A, %run_scoped3A_13, %dma_wait3A, %dma_wait3A_34] : memref<32x2x40x128xi32, #tpu.memory_space<hbm>> -> memref<1x1x40x128xi32, #tpu.memory_space<hbm>>
      %dma_wait3A_36 = tpu.memref_squeeze %dma_wait3A_35 : memref<1x1x40x128xi32, #tpu.memory_space<hbm>> -> memref<40x128xi32, #tpu.memory_space<hbm>>
      %dma_wait3A_37 = arith.constant 0 : i32
      %dma_wait3A_38 = arith.constant 0 : i32
      %dma_wait3A_39 = tpu.memref_slice %arg4[%add3A, %run_scoped3A_13, %dma_wait3A_37, %dma_wait3A_38] : memref<32x2x40x128xi32, #tpu.memory_space<hbm>> -> memref<1x1x40x128xi32, #tpu.memory_space<hbm>>
      %dma_wait3A_40 = tpu.memref_squeeze %dma_wait3A_39 : memref<1x1x40x128xi32, #tpu.memory_space<hbm>> -> memref<40x128xi32, #tpu.memory_space<hbm>>
      tpu.wait_dma2 semaphore(%run_scoped3A_26 : memref<!tpu.dma_semaphore, #tpu.memory_space<semaphore_mem>>) src(%dma_wait3A_40 : memref<40x128xi32, #tpu.memory_space<hbm>>) dst(%arg8 : memref<40x128xi32, #tpu.memory_space<vmem>>)
      tpu.yield
    }) : () -> ()
    %scan3A_14 = arith.constant 0 : i32
    %scan3A_15 = arith.constant 0 : i32
    %scan3A_16 = arith.constant 20 : i32
    %scan3A_17 = arith.addi %scan3A_15, %scan3A_16 : i32
    %scan3A_18 = arith.constant 1 : i32
    %scan3A_19 = scf.for %scan3A_26 = %scan3A_15 to %scan3A_17 step %scan3A_18 iter_args(%scan3A_27 = %scan3A_14) -> (i32)  : i32 {
      %mul3A_28 = arith.constant 2 : i32
      %mul3A_29 = arith.muli %mul3A_28, %scan3A_26 : i32
      %dma_start3A = arith.constant 0 : i32
      %dma_start3A_30 = tpu.memref_slice %arg7[%mul3A_29, %dma_start3A] : memref<40x128xi32, #tpu.memory_space<vmem>> -> memref<1x128xi32, #tpu.memory_space<vmem>>
      %dma_start3A_31 = tpu.memref_squeeze %dma_start3A_30 : memref<1x128xi32, #tpu.memory_space<vmem>> -> memref<128xi32, #tpu.memory_space<vmem>>
      %dma_start3A_32 = arith.constant 0 : i32
      %dma_start3A_33 = arith.constant 0 : i32
      %dma_start3A_34 = tpu.memref_slice %arg2[%dma_start3A_32, %dma_start3A_33] : memref<10000x128xf32, #tpu.memory_space<hbm>> -> memref<10000x128xf32, #tpu.memory_space<hbm>>
      tpu.enqueue_indirect_dma source(%dma_start3A_34 : memref<10000x128xf32, #tpu.memory_space<hbm>>) target(%arg9 : memref<128x128xf32, #tpu.memory_space<vmem>>) offsets(%dma_start3A_31 : memref<128xi32, #tpu.memory_space<vmem>>) semaphore(%arg12 : memref<!tpu.dma_semaphore, #tpu.memory_space<semaphore_mem>>)
      %add3A_35 = arith.constant 1 : i32
      %add3A_36 = arith.addi %mul3A_29, %add3A_35 : i32
      %dma_start3A_37 = arith.constant 0 : i32
      %dma_start3A_38 = tpu.memref_slice %arg7[%add3A_36, %dma_start3A_37] : memref<40x128xi32, #tpu.memory_space<vmem>> -> memref<1x128xi32, #tpu.memory_space<vmem>>
      %dma_start3A_39 = tpu.memref_squeeze %dma_start3A_38 : memref<1x128xi32, #tpu.memory_space<vmem>> -> memref<128xi32, #tpu.memory_space<vmem>>
      %dma_start3A_40 = arith.constant 0 : i32
      %dma_start3A_41 = arith.constant 0 : i32
      %dma_start3A_42 = tpu.memref_slice %arg2[%dma_start3A_40, %dma_start3A_41] : memref<10000x128xf32, #tpu.memory_space<hbm>> -> memref<10000x128xf32, #tpu.memory_space<hbm>>
      tpu.enqueue_indirect_dma source(%dma_start3A_42 : memref<10000x128xf32, #tpu.memory_space<hbm>>) target(%arg10 : memref<128x128xf32, #tpu.memory_space<vmem>>) offsets(%dma_start3A_39 : memref<128xi32, #tpu.memory_space<vmem>>) semaphore(%arg13 : memref<!tpu.dma_semaphore, #tpu.memory_space<semaphore_mem>>)
      %dma_wait3A = arith.constant 0 : i32
      %dma_wait3A_43 = tpu.memref_slice %arg7[%mul3A_29, %dma_wait3A] : memref<40x128xi32, #tpu.memory_space<vmem>> -> memref<1x128xi32, #tpu.memory_space<vmem>>
      %dma_wait3A_44 = tpu.memref_squeeze %dma_wait3A_43 : memref<1x128xi32, #tpu.memory_space<vmem>> -> memref<128xi32, #tpu.memory_space<vmem>>
      %dma_wait3A_45 = arith.constant 0 : i32
      %dma_wait3A_46 = arith.constant 0 : i32
      %dma_wait3A_47 = tpu.memref_slice %arg2[%dma_wait3A_45, %dma_wait3A_46] : memref<10000x128xf32, #tpu.memory_space<hbm>> -> memref<10000x128xf32, #tpu.memory_space<hbm>>
      tpu.wait_indirect_dma semaphore(%arg12 : memref<!tpu.dma_semaphore, #tpu.memory_space<semaphore_mem>>) src(%dma_wait3A_47 : memref<10000x128xf32, #tpu.memory_space<hbm>>) dst(%arg9 : memref<128x128xf32, #tpu.memory_space<vmem>>)
      "tpu.region"() ({
        %run_scoped3A_57 = tpu.sem_alloc : memref<!tpu.dma_semaphore, #tpu.memory_space<semaphore_mem>>
        %dma_start3A_58 = arith.constant 0 : i32
        %dma_start3A_59 = tpu.memref_slice %arg8[%mul3A_29, %dma_start3A_58] : memref<40x128xi32, #tpu.memory_space<vmem>> -> memref<1x128xi32, #tpu.memory_space<vmem>>
        %dma_start3A_60 = tpu.memref_squeeze %dma_start3A_59 : memref<1x128xi32, #tpu.memory_space<vmem>> -> memref<128xi32, #tpu.memory_space<vmem>>
        %dma_start3A_61 = arith.constant 0 : i32
        %dma_start3A_62 = arith.constant 0 : i32
        %dma_start3A_63 = tpu.memref_slice %arg11[%dma_start3A_61, %dma_start3A_62] : memref<10240x128xf32, #tpu.memory_space<vmem_shared>> -> memref<10240x128xf32, #tpu.memory_space<vmem_shared>>
        tpu.enqueue_indirect_dma source(%arg9 : memref<128x128xf32, #tpu.memory_space<vmem>>) target(%dma_start3A_63 : memref<10240x128xf32, #tpu.memory_space<vmem_shared>>) offsets(%dma_start3A_60 : memref<128xi32, #tpu.memory_space<vmem>>) semaphore(%run_scoped3A_57 : memref<!tpu.dma_semaphore, #tpu.memory_space<semaphore_mem>>) {add = true}
        %dma_wait3A_64 = arith.constant 0 : i32
        %dma_wait3A_65 = tpu.memref_slice %arg8[%mul3A_29, %dma_wait3A_64] : memref<40x128xi32, #tpu.memory_space<vmem>> -> memref<1x128xi32, #tpu.memory_space<vmem>>
        %dma_wait3A_66 = tpu.memref_squeeze %dma_wait3A_65 : memref<1x128xi32, #tpu.memory_space<vmem>> -> memref<128xi32, #tpu.memory_space<vmem>>
        %dma_wait3A_67 = arith.constant 0 : i32
        %dma_wait3A_68 = arith.constant 0 : i32
        %dma_wait3A_69 = tpu.memref_slice %arg11[%dma_wait3A_67, %dma_wait3A_68] : memref<10240x128xf32, #tpu.memory_space<vmem_shared>> -> memref<10240x128xf32, #tpu.memory_space<vmem_shared>>
        tpu.wait_indirect_dma semaphore(%run_scoped3A_57 : memref<!tpu.dma_semaphore, #tpu.memory_space<semaphore_mem>>) src(%arg9 : memref<128x128xf32, #tpu.memory_space<vmem>>) dst(%dma_wait3A_69 : memref<10240x128xf32, #tpu.memory_space<vmem_shared>>)
        tpu.yield
      }) : () -> ()
      %dma_wait3A_48 = arith.constant 0 : i32
      %dma_wait3A_49 = tpu.memref_slice %arg7[%add3A_36, %dma_wait3A_48] : memref<40x128xi32, #tpu.memory_space<vmem>> -> memref<1x128xi32, #tpu.memory_space<vmem>>
      %dma_wait3A_50 = tpu.memref_squeeze %dma_wait3A_49 : memref<1x128xi32, #tpu.memory_space<vmem>> -> memref<128xi32, #tpu.memory_space<vmem>>
      %dma_wait3A_51 = arith.constant 0 : i32
      %dma_wait3A_52 = arith.constant 0 : i32
      %dma_wait3A_53 = tpu.memref_slice %arg2[%dma_wait3A_51, %dma_wait3A_52] : memref<10000x128xf32, #tpu.memory_space<hbm>> -> memref<10000x128xf32, #tpu.memory_space<hbm>>
      tpu.wait_indirect_dma semaphore(%arg13 : memref<!tpu.dma_semaphore, #tpu.memory_space<semaphore_mem>>) src(%dma_wait3A_53 : memref<10000x128xf32, #tpu.memory_space<hbm>>) dst(%arg10 : memref<128x128xf32, #tpu.memory_space<vmem>>)
      %add3A_54 = arith.constant 1 : i32
      %add3A_55 = arith.addi %mul3A_29, %add3A_54 : i32
      "tpu.region"() ({
        %run_scoped3A_57 = tpu.sem_alloc : memref<!tpu.dma_semaphore, #tpu.memory_space<semaphore_mem>>
        %dma_start3A_58 = arith.constant 0 : i32
        %dma_start3A_59 = tpu.memref_slice %arg8[%add3A_55, %dma_start3A_58] : memref<40x128xi32, #tpu.memory_space<vmem>> -> memref<1x128xi32, #tpu.memory_space<vmem>>
        %dma_start3A_60 = tpu.memref_squeeze %dma_start3A_59 : memref<1x128xi32, #tpu.memory_space<vmem>> -> memref<128xi32, #tpu.memory_space<vmem>>
        %dma_start3A_61 = arith.constant 0 : i32
        %dma_start3A_62 = arith.constant 0 : i32
        %dma_start3A_63 = tpu.memref_slice %arg11[%dma_start3A_61, %dma_start3A_62] : memref<10240x128xf32, #tpu.memory_space<vmem_shared>> -> memref<10240x128xf32, #tpu.memory_space<vmem_shared>>
        tpu.enqueue_indirect_dma source(%arg10 : memref<128x128xf32, #tpu.memory_space<vmem>>) target(%dma_start3A_63 : memref<10240x128xf32, #tpu.memory_space<vmem_shared>>) offsets(%dma_start3A_60 : memref<128xi32, #tpu.memory_space<vmem>>) semaphore(%run_scoped3A_57 : memref<!tpu.dma_semaphore, #tpu.memory_space<semaphore_mem>>) {add = true}
        %dma_wait3A_64 = arith.constant 0 : i32
        %dma_wait3A_65 = tpu.memref_slice %arg8[%add3A_55, %dma_wait3A_64] : memref<40x128xi32, #tpu.memory_space<vmem>> -> memref<1x128xi32, #tpu.memory_space<vmem>>
        %dma_wait3A_66 = tpu.memref_squeeze %dma_wait3A_65 : memref<1x128xi32, #tpu.memory_space<vmem>> -> memref<128xi32, #tpu.memory_space<vmem>>
        %dma_wait3A_67 = arith.constant 0 : i32
        %dma_wait3A_68 = arith.constant 0 : i32
        %dma_wait3A_69 = tpu.memref_slice %arg11[%dma_wait3A_67, %dma_wait3A_68] : memref<10240x128xf32, #tpu.memory_space<vmem_shared>> -> memref<10240x128xf32, #tpu.memory_space<vmem_shared>>
        tpu.wait_indirect_dma semaphore(%run_scoped3A_57 : memref<!tpu.dma_semaphore, #tpu.memory_space<semaphore_mem>>) src(%arg10 : memref<128x128xf32, #tpu.memory_space<vmem>>) dst(%dma_wait3A_69 : memref<10240x128xf32, #tpu.memory_space<vmem_shared>>)
        tpu.yield
      }) : () -> ()
      %scan3A_56 = arith.constant 0 : i32
      scf.yield %scan3A_56 : i32
    }
    %scan3A_20 = arith.constant 20 : i32
    %barrier3A_21 = arith.constant 0 : index
    tpu.barrier barrier_id(%barrier3A_21)
    %mul3A_22 = arith.constant 640 : i32
    %mul3A_23 = arith.muli %arg1, %mul3A_22 : i32
    %mul3A_24 = arith.constant 640 : i32
    %mul3A_25 = arith.muli %arg1, %mul3A_24 : i32
    "tpu.region"() ({
      %run_scoped3A_26 = tpu.sem_alloc : memref<!tpu.dma_semaphore, #tpu.memory_space<semaphore_mem>>
      %dma_start3A = arith.constant 0 : i32
      %dma_start3A_27 = tpu.memref_slice %arg6[%arg0, %mul3A_25, %dma_start3A] : memref<2x10240x128xf32, #tpu.memory_space<hbm>> -> memref<1x640x128xf32, #tpu.memory_space<hbm>>
      %dma_start3A_28 = tpu.memref_squeeze %dma_start3A_27 : memref<1x640x128xf32, #tpu.memory_space<hbm>> -> memref<640x128xf32, #tpu.memory_space<hbm>>
      %dma_start3A_29 = arith.constant 0 : i32
      %dma_start3A_30 = tpu.memref_slice %arg11[%mul3A_23, %dma_start3A_29] : memref<10240x128xf32, #tpu.memory_space<vmem_shared>> -> memref<640x128xf32, #tpu.memory_space<vmem_shared>>
      tpu.enqueue_dma source(%dma_start3A_30 : memref<640x128xf32, #tpu.memory_space<vmem_shared>>) target(%dma_start3A_28 : memref<640x128xf32, #tpu.memory_space<hbm>>) target_semaphore(%run_scoped3A_26 : memref<!tpu.dma_semaphore, #tpu.memory_space<semaphore_mem>>)
      %dma_wait3A = arith.constant 0 : i32
      %dma_wait3A_31 = tpu.memref_slice %arg6[%arg0, %mul3A_25, %dma_wait3A] : memref<2x10240x128xf32, #tpu.memory_space<hbm>> -> memref<1x640x128xf32, #tpu.memory_space<hbm>>
      %dma_wait3A_32 = tpu.memref_squeeze %dma_wait3A_31 : memref<1x640x128xf32, #tpu.memory_space<hbm>> -> memref<640x128xf32, #tpu.memory_space<hbm>>
      %dma_wait3A_33 = arith.constant 0 : i32
      %dma_wait3A_34 = tpu.memref_slice %arg11[%mul3A_23, %dma_wait3A_33] : memref<10240x128xf32, #tpu.memory_space<vmem_shared>> -> memref<640x128xf32, #tpu.memory_space<vmem_shared>>
      tpu.wait_dma2 semaphore(%run_scoped3A_26 : memref<!tpu.dma_semaphore, #tpu.memory_space<semaphore_mem>>) src(%dma_wait3A_34 : memref<640x128xf32, #tpu.memory_space<vmem_shared>>) dst(%dma_wait3A_32 : memref<640x128xf32, #tpu.memory_space<hbm>>)
      tpu.yield
    }) : () -> ()
    return
  }
}

#map = affine_map<(d0, d1) -> (0, 0, 0, 0)>
#map1 = affine_map<(d0, d1) -> (0, 0)>
module attributes {stable_mosaic.version = 14 : i64} {
  func.func @_deg_kernel(%arg0: i32, %arg1: i32, %arg2: memref<32x2x40x128xi32, #tpu.memory_space<hbm>>, %arg3: memref<32x10240xf32, #tpu.memory_space<hbm>>, %arg4: memref<80x128xi32, #tpu.memory_space<vmem>>, %arg5: memref<10240xf32, #tpu.memory_space<vmem>>) attributes {dimension_semantics = [#tpu.dimension_semantics<core_parallel>, #tpu.dimension_semantics<subcore_parallel>], iteration_bounds = array<i64: 2, 16>, scalar_prefetch = 0 : i64, scratch_operands = 2 : i64, tpu.core_type = #tpu.core_type<sc_vector_subcore>, window_params = [{transform_indices = #map}, {transform_indices = #map1}]} {
    %mul3A = arith.constant 16 : i32
    %mul3A_0 = arith.muli %arg0, %mul3A : i32
    %add3A = arith.addi %mul3A_0, %arg1 : i32
    %run_scoped3A = arith.constant 0 : i32
    "tpu.region"() ({
      %run_scoped3A_18 = tpu.sem_alloc : memref<!tpu.dma_semaphore, #tpu.memory_space<semaphore_mem>>
      %dma_start3A = arith.constant 0 : i32
      %dma_start3A_19 = arith.constant 0 : i32
      %dma_start3A_20 = tpu.memref_slice %arg4[%dma_start3A, %dma_start3A_19] : memref<80x128xi32, #tpu.memory_space<vmem>> -> memref<40x128xi32, #tpu.memory_space<vmem>>
      %dma_start3A_21 = arith.constant 0 : i32
      %dma_start3A_22 = arith.constant 0 : i32
      %dma_start3A_23 = tpu.memref_slice %arg2[%add3A, %run_scoped3A, %dma_start3A_21, %dma_start3A_22] : memref<32x2x40x128xi32, #tpu.memory_space<hbm>> -> memref<1x1x40x128xi32, #tpu.memory_space<hbm>>
      %dma_start3A_24 = tpu.memref_squeeze %dma_start3A_23 : memref<1x1x40x128xi32, #tpu.memory_space<hbm>> -> memref<40x128xi32, #tpu.memory_space<hbm>>
      %dma_start3A_25 = arith.constant 0 : i32
      %dma_start3A_26 = arith.constant 0 : i32
      %dma_start3A_27 = tpu.memref_slice %arg4[%dma_start3A_25, %dma_start3A_26] : memref<80x128xi32, #tpu.memory_space<vmem>> -> memref<40x128xi32, #tpu.memory_space<vmem>>
      %dma_start3A_28 = arith.constant 0 : i32
      %dma_start3A_29 = arith.constant 0 : i32
      %dma_start3A_30 = tpu.memref_slice %arg2[%add3A, %run_scoped3A, %dma_start3A_28, %dma_start3A_29] : memref<32x2x40x128xi32, #tpu.memory_space<hbm>> -> memref<1x1x40x128xi32, #tpu.memory_space<hbm>>
      %dma_start3A_31 = tpu.memref_squeeze %dma_start3A_30 : memref<1x1x40x128xi32, #tpu.memory_space<hbm>> -> memref<40x128xi32, #tpu.memory_space<hbm>>
      tpu.enqueue_dma source(%dma_start3A_31 : memref<40x128xi32, #tpu.memory_space<hbm>>) target(%dma_start3A_27 : memref<40x128xi32, #tpu.memory_space<vmem>>) target_semaphore(%run_scoped3A_18 : memref<!tpu.dma_semaphore, #tpu.memory_space<semaphore_mem>>)
      %dma_wait3A = arith.constant 0 : i32
      %dma_wait3A_32 = arith.constant 0 : i32
      %dma_wait3A_33 = tpu.memref_slice %arg4[%dma_wait3A, %dma_wait3A_32] : memref<80x128xi32, #tpu.memory_space<vmem>> -> memref<40x128xi32, #tpu.memory_space<vmem>>
      %dma_wait3A_34 = arith.constant 0 : i32
      %dma_wait3A_35 = arith.constant 0 : i32
      %dma_wait3A_36 = tpu.memref_slice %arg2[%add3A, %run_scoped3A, %dma_wait3A_34, %dma_wait3A_35] : memref<32x2x40x128xi32, #tpu.memory_space<hbm>> -> memref<1x1x40x128xi32, #tpu.memory_space<hbm>>
      %dma_wait3A_37 = tpu.memref_squeeze %dma_wait3A_36 : memref<1x1x40x128xi32, #tpu.memory_space<hbm>> -> memref<40x128xi32, #tpu.memory_space<hbm>>
      %dma_wait3A_38 = arith.constant 0 : i32
      %dma_wait3A_39 = arith.constant 0 : i32
      %dma_wait3A_40 = tpu.memref_slice %arg4[%dma_wait3A_38, %dma_wait3A_39] : memref<80x128xi32, #tpu.memory_space<vmem>> -> memref<40x128xi32, #tpu.memory_space<vmem>>
      %dma_wait3A_41 = arith.constant 0 : i32
      %dma_wait3A_42 = arith.constant 0 : i32
      %dma_wait3A_43 = tpu.memref_slice %arg2[%add3A, %run_scoped3A, %dma_wait3A_41, %dma_wait3A_42] : memref<32x2x40x128xi32, #tpu.memory_space<hbm>> -> memref<1x1x40x128xi32, #tpu.memory_space<hbm>>
      %dma_wait3A_44 = tpu.memref_squeeze %dma_wait3A_43 : memref<1x1x40x128xi32, #tpu.memory_space<hbm>> -> memref<40x128xi32, #tpu.memory_space<hbm>>
      tpu.wait_dma2 semaphore(%run_scoped3A_18 : memref<!tpu.dma_semaphore, #tpu.memory_space<semaphore_mem>>) src(%dma_wait3A_44 : memref<40x128xi32, #tpu.memory_space<hbm>>) dst(%dma_wait3A_40 : memref<40x128xi32, #tpu.memory_space<vmem>>)
      tpu.yield
    }) : () -> ()
    %run_scoped3A_1 = arith.constant 1 : i32
    "tpu.region"() ({
      %run_scoped3A_18 = tpu.sem_alloc : memref<!tpu.dma_semaphore, #tpu.memory_space<semaphore_mem>>
      %dma_start3A = arith.constant 40 : i32
      %dma_start3A_19 = arith.constant 0 : i32
      %dma_start3A_20 = tpu.memref_slice %arg4[%dma_start3A, %dma_start3A_19] : memref<80x128xi32, #tpu.memory_space<vmem>> -> memref<40x128xi32, #tpu.memory_space<vmem>>
      %dma_start3A_21 = arith.constant 0 : i32
      %dma_start3A_22 = arith.constant 0 : i32
      %dma_start3A_23 = tpu.memref_slice %arg2[%add3A, %run_scoped3A_1, %dma_start3A_21, %dma_start3A_22] : memref<32x2x40x128xi32, #tpu.memory_space<hbm>> -> memref<1x1x40x128xi32, #tpu.memory_space<hbm>>
      %dma_start3A_24 = tpu.memref_squeeze %dma_start3A_23 : memref<1x1x40x128xi32, #tpu.memory_space<hbm>> -> memref<40x128xi32, #tpu.memory_space<hbm>>
      %dma_start3A_25 = arith.constant 40 : i32
      %dma_start3A_26 = arith.constant 0 : i32
      %dma_start3A_27 = tpu.memref_slice %arg4[%dma_start3A_25, %dma_start3A_26] : memref<80x128xi32, #tpu.memory_space<vmem>> -> memref<40x128xi32, #tpu.memory_space<vmem>>
      %dma_start3A_28 = arith.constant 0 : i32
      %dma_start3A_29 = arith.constant 0 : i32
      %dma_start3A_30 = tpu.memref_slice %arg2[%add3A, %run_scoped3A_1, %dma_start3A_28, %dma_start3A_29] : memref<32x2x40x128xi32, #tpu.memory_space<hbm>> -> memref<1x1x40x128xi32, #tpu.memory_space<hbm>>
      %dma_start3A_31 = tpu.memref_squeeze %dma_start3A_30 : memref<1x1x40x128xi32, #tpu.memory_space<hbm>> -> memref<40x128xi32, #tpu.memory_space<hbm>>
      tpu.enqueue_dma source(%dma_start3A_31 : memref<40x128xi32, #tpu.memory_space<hbm>>) target(%dma_start3A_27 : memref<40x128xi32, #tpu.memory_space<vmem>>) target_semaphore(%run_scoped3A_18 : memref<!tpu.dma_semaphore, #tpu.memory_space<semaphore_mem>>)
      %dma_wait3A = arith.constant 40 : i32
      %dma_wait3A_32 = arith.constant 0 : i32
      %dma_wait3A_33 = tpu.memref_slice %arg4[%dma_wait3A, %dma_wait3A_32] : memref<80x128xi32, #tpu.memory_space<vmem>> -> memref<40x128xi32, #tpu.memory_space<vmem>>
      %dma_wait3A_34 = arith.constant 0 : i32
      %dma_wait3A_35 = arith.constant 0 : i32
      %dma_wait3A_36 = tpu.memref_slice %arg2[%add3A, %run_scoped3A_1, %dma_wait3A_34, %dma_wait3A_35] : memref<32x2x40x128xi32, #tpu.memory_space<hbm>> -> memref<1x1x40x128xi32, #tpu.memory_space<hbm>>
      %dma_wait3A_37 = tpu.memref_squeeze %dma_wait3A_36 : memref<1x1x40x128xi32, #tpu.memory_space<hbm>> -> memref<40x128xi32, #tpu.memory_space<hbm>>
      %dma_wait3A_38 = arith.constant 40 : i32
      %dma_wait3A_39 = arith.constant 0 : i32
      %dma_wait3A_40 = tpu.memref_slice %arg4[%dma_wait3A_38, %dma_wait3A_39] : memref<80x128xi32, #tpu.memory_space<vmem>> -> memref<40x128xi32, #tpu.memory_space<vmem>>
      %dma_wait3A_41 = arith.constant 0 : i32
      %dma_wait3A_42 = arith.constant 0 : i32
      %dma_wait3A_43 = tpu.memref_slice %arg2[%add3A, %run_scoped3A_1, %dma_wait3A_41, %dma_wait3A_42] : memref<32x2x40x128xi32, #tpu.memory_space<hbm>> -> memref<1x1x40x128xi32, #tpu.memory_space<hbm>>
      %dma_wait3A_44 = tpu.memref_squeeze %dma_wait3A_43 : memref<1x1x40x128xi32, #tpu.memory_space<hbm>> -> memref<40x128xi32, #tpu.memory_space<hbm>>
      tpu.wait_dma2 semaphore(%run_scoped3A_18 : memref<!tpu.dma_semaphore, #tpu.memory_space<semaphore_mem>>) src(%dma_wait3A_44 : memref<40x128xi32, #tpu.memory_space<hbm>>) dst(%dma_wait3A_40 : memref<40x128xi32, #tpu.memory_space<vmem>>)
      tpu.yield
    }) : () -> ()
    %broadcast_in_dim3A = arith.constant 0.000000e+00 : f32
    %broadcast_in_dim3A_2 = vector.broadcast %broadcast_in_dim3A : f32 to vector<16xf32>
    %scan3A = arith.constant 0 : i32
    %scan3A_3 = arith.constant 0 : i32
    %scan3A_4 = arith.constant 640 : i32
    %scan3A_5 = arith.addi %scan3A_3, %scan3A_4 : i32
    %scan3A_6 = arith.constant 1 : i32
    %scan3A_7 = scf.for %scan3A_18 = %scan3A_3 to %scan3A_5 step %scan3A_6 iter_args(%scan3A_19 = %scan3A) -> (i32)  : i32 {
      %mul3A_20 = arith.constant 16 : i32
      %mul3A_21 = arith.muli %scan3A_18, %mul3A_20 : i32
      %swap3A = arith.index_cast %mul3A_21 : i32 to index
      %swap3A_22 = tpu.vector_load %arg5[%swap3A] {strides = array<i32>} : memref<10240xf32, #tpu.memory_space<vmem>>, vector<16xf32>,
      tpu.vector_store %arg5[%swap3A], %broadcast_in_dim3A_2 {strides = array<i32>} : memref<10240xf32, #tpu.memory_space<vmem>>, vector<16xf32>,
      %scan3A_23 = arith.constant 0 : i32
      scf.yield %scan3A_23 : i32
    }
    %scan3A_8 = arith.constant 640 : i32
    %broadcast_in_dim3A_9 = arith.constant 1.000000e+00 : f32
    %broadcast_in_dim3A_10 = vector.broadcast %broadcast_in_dim3A_9 : f32 to vector<16xf32>
    %scan3A_11 = arith.constant 0 : i32
    %scan3A_12 = arith.constant 0 : i32
    %scan3A_13 = arith.constant 80 : i32
    %scan3A_14 = arith.addi %scan3A_12, %scan3A_13 : i32
    %scan3A_15 = arith.constant 1 : i32
    %scan3A_16 = scf.for %scan3A_18 = %scan3A_12 to %scan3A_14 step %scan3A_15 iter_args(%scan3A_19 = %scan3A_11) -> (i32)  : i32 {
      %get3A = arith.index_cast %scan3A_18 : i32 to index
      %get3A_20 = arith.constant 0 : index
      %get3A_21 = tpu.vector_load %arg4[%get3A, %get3A_20] {strides = array<i32>} : memref<80x128xi32, #tpu.memory_space<vmem>>, vector<16xi32>,
      tpu.vector_store_idx %arg5[%get3A_21], %broadcast_in_dim3A_10 {add = true} : memref<10240xf32, #tpu.memory_space<vmem>>[vector<16xi32>], vector<16xf32>,
      %get3A_22 = arith.index_cast %scan3A_18 : i32 to index
      %get3A_23 = arith.constant 16 : index
      %get3A_24 = tpu.vector_load %arg4[%get3A_22, %get3A_23] {strides = array<i32>} : memref<80x128xi32, #tpu.memory_space<vmem>>, vector<16xi32>,
      tpu.vector_store_idx %arg5[%get3A_24], %broadcast_in_dim3A_10 {add = true} : memref<10240xf32, #tpu.memory_space<vmem>>[vector<16xi32>], vector<16xf32>,
      %get3A_25 = arith.index_cast %scan3A_18 : i32 to index
      %get3A_26 = arith.constant 32 : index
      %get3A_27 = tpu.vector_load %arg4[%get3A_25, %get3A_26] {strides = array<i32>} : memref<80x128xi32, #tpu.memory_space<vmem>>, vector<16xi32>,
      tpu.vector_store_idx %arg5[%get3A_27], %broadcast_in_dim3A_10 {add = true} : memref<10240xf32, #tpu.memory_space<vmem>>[vector<16xi32>], vector<16xf32>,
      %get3A_28 = arith.index_cast %scan3A_18 : i32 to index
      %get3A_29 = arith.constant 48 : index
      %get3A_30 = tpu.vector_load %arg4[%get3A_28, %get3A_29] {strides = array<i32>} : memref<80x128xi32, #tpu.memory_space<vmem>>, vector<16xi32>,
      tpu.vector_store_idx %arg5[%get3A_30], %broadcast_in_dim3A_10 {add = true} : memref<10240xf32, #tpu.memory_space<vmem>>[vector<16xi32>], vector<16xf32>,
      %get3A_31 = arith.index_cast %scan3A_18 : i32 to index
      %get3A_32 = arith.constant 64 : index
      %get3A_33 = tpu.vector_load %arg4[%get3A_31, %get3A_32] {strides = array<i32>} : memref<80x128xi32, #tpu.memory_space<vmem>>, vector<16xi32>,
      tpu.vector_store_idx %arg5[%get3A_33], %broadcast_in_dim3A_10 {add = true} : memref<10240xf32, #tpu.memory_space<vmem>>[vector<16xi32>], vector<16xf32>,
      %get3A_34 = arith.index_cast %scan3A_18 : i32 to index
      %get3A_35 = arith.constant 80 : index
      %get3A_36 = tpu.vector_load %arg4[%get3A_34, %get3A_35] {strides = array<i32>} : memref<80x128xi32, #tpu.memory_space<vmem>>, vector<16xi32>,
      tpu.vector_store_idx %arg5[%get3A_36], %broadcast_in_dim3A_10 {add = true} : memref<10240xf32, #tpu.memory_space<vmem>>[vector<16xi32>], vector<16xf32>,
      %get3A_37 = arith.index_cast %scan3A_18 : i32 to index
      %get3A_38 = arith.constant 96 : index
      %get3A_39 = tpu.vector_load %arg4[%get3A_37, %get3A_38] {strides = array<i32>} : memref<80x128xi32, #tpu.memory_space<vmem>>, vector<16xi32>,
      tpu.vector_store_idx %arg5[%get3A_39], %broadcast_in_dim3A_10 {add = true} : memref<10240xf32, #tpu.memory_space<vmem>>[vector<16xi32>], vector<16xf32>,
      %get3A_40 = arith.index_cast %scan3A_18 : i32 to index
      %get3A_41 = arith.constant 112 : index
      %get3A_42 = tpu.vector_load %arg4[%get3A_40, %get3A_41] {strides = array<i32>} : memref<80x128xi32, #tpu.memory_space<vmem>>, vector<16xi32>,
      tpu.vector_store_idx %arg5[%get3A_42], %broadcast_in_dim3A_10 {add = true} : memref<10240xf32, #tpu.memory_space<vmem>>[vector<16xi32>], vector<16xf32>,
      %scan3A_43 = arith.constant 0 : i32
      scf.yield %scan3A_43 : i32
    }
    %scan3A_17 = arith.constant 80 : i32
    "tpu.region"() ({
      %run_scoped3A_18 = tpu.sem_alloc : memref<!tpu.dma_semaphore, #tpu.memory_space<semaphore_mem>>
      %dma_start3A = arith.constant 0 : i32
      %dma_start3A_19 = tpu.memref_slice %arg3[%add3A, %dma_start3A] : memref<32x10240xf32, #tpu.memory_space<hbm>> -> memref<1x10240xf32, #tpu.memory_space<hbm>>
      %dma_start3A_20 = tpu.memref_squeeze %dma_start3A_19 : memref<1x10240xf32, #tpu.memory_space<hbm>> -> memref<10240xf32, #tpu.memory_space<hbm>>
      %dma_start3A_21 = arith.constant 0 : i32
      %dma_start3A_22 = tpu.memref_slice %arg3[%add3A, %dma_start3A_21] : memref<32x10240xf32, #tpu.memory_space<hbm>> -> memref<1x10240xf32, #tpu.memory_space<hbm>>
      %dma_start3A_23 = tpu.memref_squeeze %dma_start3A_22 : memref<1x10240xf32, #tpu.memory_space<hbm>> -> memref<10240xf32, #tpu.memory_space<hbm>>
      tpu.enqueue_dma source(%arg5 : memref<10240xf32, #tpu.memory_space<vmem>>) target(%dma_start3A_23 : memref<10240xf32, #tpu.memory_space<hbm>>) target_semaphore(%run_scoped3A_18 : memref<!tpu.dma_semaphore, #tpu.memory_space<semaphore_mem>>)
      %dma_wait3A = arith.constant 0 : i32
      %dma_wait3A_24 = tpu.memref_slice %arg3[%add3A, %dma_wait3A] : memref<32x10240xf32, #tpu.memory_space<hbm>> -> memref<1x10240xf32, #tpu.memory_space<hbm>>
      %dma_wait3A_25 = tpu.memref_squeeze %dma_wait3A_24 : memref<1x10240xf32, #tpu.memory_space<hbm>> -> memref<10240xf32, #tpu.memory_space<hbm>>
      %dma_wait3A_26 = arith.constant 0 : i32
      %dma_wait3A_27 = tpu.memref_slice %arg3[%add3A, %dma_wait3A_26] : memref<32x10240xf32, #tpu.memory_space<hbm>> -> memref<1x10240xf32, #tpu.memory_space<hbm>>
      %dma_wait3A_28 = tpu.memref_squeeze %dma_wait3A_27 : memref<1x10240xf32, #tpu.memory_space<hbm>> -> memref<10240xf32, #tpu.memory_space<hbm>>
      tpu.wait_dma2 semaphore(%run_scoped3A_18 : memref<!tpu.dma_semaphore, #tpu.memory_space<semaphore_mem>>) src(%arg5 : memref<10240xf32, #tpu.memory_space<vmem>>) dst(%dma_wait3A_28 : memref<10240xf32, #tpu.memory_space<hbm>>)
      tpu.yield
    }) : () -> ()
    return
  }
}

#map = affine_map<(d0, d1) -> (0, 0)>
#map1 = affine_map<(d0, d1) -> (0, 0, 0, 0)>
#map2 = affine_map<(d0, d1) -> (0, 0, 0)>
module attributes {stable_mosaic.version = 14 : i64} {
  func.func @_agg_kernel(%arg0: i32, %arg1: i32, %arg2: memref<10000x128xf32, #tpu.memory_space<hbm>>, %arg3: memref<32x2x40x128xi32, #tpu.memory_space<hbm>>, %arg4: memref<32x2x40x128xi32, #tpu.memory_space<hbm>>, %arg5: memref<10240x128xf32, #tpu.memory_space<hbm>>, %arg6: memref<2x10240x128xf32, #tpu.memory_space<hbm>>, %arg7: memref<40x128xi32, #tpu.memory_space<vmem>>, %arg8: memref<40x128xi32, #tpu.memory_space<vmem>>, %arg9: memref<128x128xf32, #tpu.memory_space<vmem>>, %arg10: memref<128x128xf32, #tpu.memory_space<vmem>>, %arg11: memref<10240x128xf32, #tpu.memory_space<vmem_shared>>, %arg12: memref<!tpu.dma_semaphore, #tpu.memory_space<semaphore_mem>>, %arg13: memref<!tpu.dma_semaphore, #tpu.memory_space<semaphore_mem>>) attributes {dimension_semantics = [#tpu.dimension_semantics<core_parallel>, #tpu.dimension_semantics<subcore_parallel>], iteration_bounds = array<i64: 2, 16>, scalar_prefetch = 0 : i64, scratch_operands = 7 : i64, tpu.core_type = #tpu.core_type<sc_vector_subcore>, window_params = [{transform_indices = #map}, {transform_indices = #map1}, {transform_indices = #map1}, {transform_indices = #map}, {transform_indices = #map2}]} {
    %mul3A = arith.constant 16 : i32
    %mul3A_0 = arith.muli %arg0, %mul3A : i32
    %add3A = arith.addi %mul3A_0, %arg1 : i32
    %mul3A_1 = arith.constant 640 : i32
    %mul3A_2 = arith.muli %arg1, %mul3A_1 : i32
    %mul3A_3 = arith.constant 640 : i32
    %mul3A_4 = arith.muli %arg1, %mul3A_3 : i32
    "tpu.region"() ({
      %run_scoped3A_26 = tpu.sem_alloc : memref<!tpu.dma_semaphore, #tpu.memory_space<semaphore_mem>>
      %dma_start3A = arith.constant 0 : i32
      %dma_start3A_27 = tpu.memref_slice %arg11[%mul3A_4, %dma_start3A] : memref<10240x128xf32, #tpu.memory_space<vmem_shared>> -> memref<640x128xf32, #tpu.memory_space<vmem_shared>>
      %dma_start3A_28 = arith.constant 0 : i32
      %dma_start3A_29 = tpu.memref_slice %arg5[%mul3A_2, %dma_start3A_28] : memref<10240x128xf32, #tpu.memory_space<hbm>> -> memref<640x128xf32, #tpu.memory_space<hbm>>
      tpu.enqueue_dma source(%dma_start3A_29 : memref<640x128xf32, #tpu.memory_space<hbm>>) target(%dma_start3A_27 : memref<640x128xf32, #tpu.memory_space<vmem_shared>>) target_semaphore(%run_scoped3A_26 : memref<!tpu.dma_semaphore, #tpu.memory_space<semaphore_mem>>)
      %dma_wait3A = arith.constant 0 : i32
      %dma_wait3A_30 = tpu.memref_slice %arg11[%mul3A_4, %dma_wait3A] : memref<10240x128xf32, #tpu.memory_space<vmem_shared>> -> memref<640x128xf32, #tpu.memory_space<vmem_shared>>
      %dma_wait3A_31 = arith.constant 0 : i32
      %dma_wait3A_32 = tpu.memref_slice %arg5[%mul3A_2, %dma_wait3A_31] : memref<10240x128xf32, #tpu.memory_space<hbm>> -> memref<640x128xf32, #tpu.memory_space<hbm>>
      tpu.wait_dma2 semaphore(%run_scoped3A_26 : memref<!tpu.dma_semaphore, #tpu.memory_space<semaphore_mem>>) src(%dma_wait3A_32 : memref<640x128xf32, #tpu.memory_space<hbm>>) dst(%dma_wait3A_30 : memref<640x128xf32, #tpu.memory_space<vmem_shared>>)
      tpu.yield
    }) : () -> ()
    %barrier3A = arith.constant 0 : index
    tpu.barrier barrier_id(%barrier3A)
    %run_scoped3A = arith.constant 0 : i32
    "tpu.region"() ({
      %run_scoped3A_26 = tpu.sem_alloc : memref<!tpu.dma_semaphore, #tpu.memory_space<semaphore_mem>>
      %dma_start3A = arith.constant 0 : i32
      %dma_start3A_27 = arith.constant 0 : i32
      %dma_start3A_28 = tpu.memref_slice %arg3[%add3A, %run_scoped3A, %dma_start3A, %dma_start3A_27] : memref<32x2x40x128xi32, #tpu.memory_space<hbm>> -> memref<1x1x40x128xi32, #tpu.memory_space<hbm>>
      %dma_start3A_29 = tpu.memref_squeeze %dma_start3A_28 : memref<1x1x40x128xi32, #tpu.memory_space<hbm>> -> memref<40x128xi32, #tpu.memory_space<hbm>>
      %dma_start3A_30 = arith.constant 0 : i32
      %dma_start3A_31 = arith.constant 0 : i32
      %dma_start3A_32 = tpu.memref_slice %arg3[%add3A, %run_scoped3A, %dma_start3A_30, %dma_start3A_31] : memref<32x2x40x128xi32, #tpu.memory_space<hbm>> -> memref<1x1x40x128xi32, #tpu.memory_space<hbm>>
      %dma_start3A_33 = tpu.memref_squeeze %dma_start3A_32 : memref<1x1x40x128xi32, #tpu.memory_space<hbm>> -> memref<40x128xi32, #tpu.memory_space<hbm>>
      tpu.enqueue_dma source(%dma_start3A_33 : memref<40x128xi32, #tpu.memory_space<hbm>>) target(%arg7 : memref<40x128xi32, #tpu.memory_space<vmem>>) target_semaphore(%run_scoped3A_26 : memref<!tpu.dma_semaphore, #tpu.memory_space<semaphore_mem>>)
      %dma_wait3A = arith.constant 0 : i32
      %dma_wait3A_34 = arith.constant 0 : i32
      %dma_wait3A_35 = tpu.memref_slice %arg3[%add3A, %run_scoped3A, %dma_wait3A, %dma_wait3A_34] : memref<32x2x40x128xi32, #tpu.memory_space<hbm>> -> memref<1x1x40x128xi32, #tpu.memory_space<hbm>>
      %dma_wait3A_36 = tpu.memref_squeeze %dma_wait3A_35 : memref<1x1x40x128xi32, #tpu.memory_space<hbm>> -> memref<40x128xi32, #tpu.memory_space<hbm>>
      %dma_wait3A_37 = arith.constant 0 : i32
      %dma_wait3A_38 = arith.constant 0 : i32
      %dma_wait3A_39 = tpu.memref_slice %arg3[%add3A, %run_scoped3A, %dma_wait3A_37, %dma_wait3A_38] : memref<32x2x40x128xi32, #tpu.memory_space<hbm>> -> memref<1x1x40x128xi32, #tpu.memory_space<hbm>>
      %dma_wait3A_40 = tpu.memref_squeeze %dma_wait3A_39 : memref<1x1x40x128xi32, #tpu.memory_space<hbm>> -> memref<40x128xi32, #tpu.memory_space<hbm>>
      tpu.wait_dma2 semaphore(%run_scoped3A_26 : memref<!tpu.dma_semaphore, #tpu.memory_space<semaphore_mem>>) src(%dma_wait3A_40 : memref<40x128xi32, #tpu.memory_space<hbm>>) dst(%arg7 : memref<40x128xi32, #tpu.memory_space<vmem>>)
      tpu.yield
    }) : () -> ()
    %run_scoped3A_5 = arith.constant 0 : i32
    "tpu.region"() ({
      %run_scoped3A_26 = tpu.sem_alloc : memref<!tpu.dma_semaphore, #tpu.memory_space<semaphore_mem>>
      %dma_start3A = arith.constant 0 : i32
      %dma_start3A_27 = arith.constant 0 : i32
      %dma_start3A_28 = tpu.memref_slice %arg4[%add3A, %run_scoped3A_5, %dma_start3A, %dma_start3A_27] : memref<32x2x40x128xi32, #tpu.memory_space<hbm>> -> memref<1x1x40x128xi32, #tpu.memory_space<hbm>>
      %dma_start3A_29 = tpu.memref_squeeze %dma_start3A_28 : memref<1x1x40x128xi32, #tpu.memory_space<hbm>> -> memref<40x128xi32, #tpu.memory_space<hbm>>
      %dma_start3A_30 = arith.constant 0 : i32
      %dma_start3A_31 = arith.constant 0 : i32
      %dma_start3A_32 = tpu.memref_slice %arg4[%add3A, %run_scoped3A_5, %dma_start3A_30, %dma_start3A_31] : memref<32x2x40x128xi32, #tpu.memory_space<hbm>> -> memref<1x1x40x128xi32, #tpu.memory_space<hbm>>
      %dma_start3A_33 = tpu.memref_squeeze %dma_start3A_32 : memref<1x1x40x128xi32, #tpu.memory_space<hbm>> -> memref<40x128xi32, #tpu.memory_space<hbm>>
      tpu.enqueue_dma source(%dma_start3A_33 : memref<40x128xi32, #tpu.memory_space<hbm>>) target(%arg8 : memref<40x128xi32, #tpu.memory_space<vmem>>) target_semaphore(%run_scoped3A_26 : memref<!tpu.dma_semaphore, #tpu.memory_space<semaphore_mem>>)
      %dma_wait3A = arith.constant 0 : i32
      %dma_wait3A_34 = arith.constant 0 : i32
      %dma_wait3A_35 = tpu.memref_slice %arg4[%add3A, %run_scoped3A_5, %dma_wait3A, %dma_wait3A_34] : memref<32x2x40x128xi32, #tpu.memory_space<hbm>> -> memref<1x1x40x128xi32, #tpu.memory_space<hbm>>
      %dma_wait3A_36 = tpu.memref_squeeze %dma_wait3A_35 : memref<1x1x40x128xi32, #tpu.memory_space<hbm>> -> memref<40x128xi32, #tpu.memory_space<hbm>>
      %dma_wait3A_37 = arith.constant 0 : i32
      %dma_wait3A_38 = arith.constant 0 : i32
      %dma_wait3A_39 = tpu.memref_slice %arg4[%add3A, %run_scoped3A_5, %dma_wait3A_37, %dma_wait3A_38] : memref<32x2x40x128xi32, #tpu.memory_space<hbm>> -> memref<1x1x40x128xi32, #tpu.memory_space<hbm>>
      %dma_wait3A_40 = tpu.memref_squeeze %dma_wait3A_39 : memref<1x1x40x128xi32, #tpu.memory_space<hbm>> -> memref<40x128xi32, #tpu.memory_space<hbm>>
      tpu.wait_dma2 semaphore(%run_scoped3A_26 : memref<!tpu.dma_semaphore, #tpu.memory_space<semaphore_mem>>) src(%dma_wait3A_40 : memref<40x128xi32, #tpu.memory_space<hbm>>) dst(%arg8 : memref<40x128xi32, #tpu.memory_space<vmem>>)
      tpu.yield
    }) : () -> ()
    %scan3A = arith.constant 0 : i32
    %scan3A_6 = arith.constant 0 : i32
    %scan3A_7 = arith.constant 20 : i32
    %scan3A_8 = arith.addi %scan3A_6, %scan3A_7 : i32
    %scan3A_9 = arith.constant 1 : i32
    %scan3A_10 = scf.for %scan3A_26 = %scan3A_6 to %scan3A_8 step %scan3A_9 iter_args(%scan3A_27 = %scan3A) -> (i32)  : i32 {
      %mul3A_28 = arith.constant 2 : i32
      %mul3A_29 = arith.muli %mul3A_28, %scan3A_26 : i32
      %dma_start3A = arith.constant 0 : i32
      %dma_start3A_30 = tpu.memref_slice %arg7[%mul3A_29, %dma_start3A] : memref<40x128xi32, #tpu.memory_space<vmem>> -> memref<1x128xi32, #tpu.memory_space<vmem>>
      %dma_start3A_31 = tpu.memref_squeeze %dma_start3A_30 : memref<1x128xi32, #tpu.memory_space<vmem>> -> memref<128xi32, #tpu.memory_space<vmem>>
      %dma_start3A_32 = arith.constant 0 : i32
      %dma_start3A_33 = arith.constant 0 : i32
      %dma_start3A_34 = tpu.memref_slice %arg2[%dma_start3A_32, %dma_start3A_33] : memref<10000x128xf32, #tpu.memory_space<hbm>> -> memref<10000x128xf32, #tpu.memory_space<hbm>>
      tpu.enqueue_indirect_dma source(%dma_start3A_34 : memref<10000x128xf32, #tpu.memory_space<hbm>>) target(%arg9 : memref<128x128xf32, #tpu.memory_space<vmem>>) offsets(%dma_start3A_31 : memref<128xi32, #tpu.memory_space<vmem>>) semaphore(%arg12 : memref<!tpu.dma_semaphore, #tpu.memory_space<semaphore_mem>>)
      %add3A_35 = arith.constant 1 : i32
      %add3A_36 = arith.addi %mul3A_29, %add3A_35 : i32
      %dma_start3A_37 = arith.constant 0 : i32
      %dma_start3A_38 = tpu.memref_slice %arg7[%add3A_36, %dma_start3A_37] : memref<40x128xi32, #tpu.memory_space<vmem>> -> memref<1x128xi32, #tpu.memory_space<vmem>>
      %dma_start3A_39 = tpu.memref_squeeze %dma_start3A_38 : memref<1x128xi32, #tpu.memory_space<vmem>> -> memref<128xi32, #tpu.memory_space<vmem>>
      %dma_start3A_40 = arith.constant 0 : i32
      %dma_start3A_41 = arith.constant 0 : i32
      %dma_start3A_42 = tpu.memref_slice %arg2[%dma_start3A_40, %dma_start3A_41] : memref<10000x128xf32, #tpu.memory_space<hbm>> -> memref<10000x128xf32, #tpu.memory_space<hbm>>
      tpu.enqueue_indirect_dma source(%dma_start3A_42 : memref<10000x128xf32, #tpu.memory_space<hbm>>) target(%arg10 : memref<128x128xf32, #tpu.memory_space<vmem>>) offsets(%dma_start3A_39 : memref<128xi32, #tpu.memory_space<vmem>>) semaphore(%arg13 : memref<!tpu.dma_semaphore, #tpu.memory_space<semaphore_mem>>)
      %dma_wait3A = arith.constant 0 : i32
      %dma_wait3A_43 = tpu.memref_slice %arg7[%mul3A_29, %dma_wait3A] : memref<40x128xi32, #tpu.memory_space<vmem>> -> memref<1x128xi32, #tpu.memory_space<vmem>>
      %dma_wait3A_44 = tpu.memref_squeeze %dma_wait3A_43 : memref<1x128xi32, #tpu.memory_space<vmem>> -> memref<128xi32, #tpu.memory_space<vmem>>
      %dma_wait3A_45 = arith.constant 0 : i32
      %dma_wait3A_46 = arith.constant 0 : i32
      %dma_wait3A_47 = tpu.memref_slice %arg2[%dma_wait3A_45, %dma_wait3A_46] : memref<10000x128xf32, #tpu.memory_space<hbm>> -> memref<10000x128xf32, #tpu.memory_space<hbm>>
      tpu.wait_indirect_dma semaphore(%arg12 : memref<!tpu.dma_semaphore, #tpu.memory_space<semaphore_mem>>) src(%dma_wait3A_47 : memref<10000x128xf32, #tpu.memory_space<hbm>>) dst(%arg9 : memref<128x128xf32, #tpu.memory_space<vmem>>)
      "tpu.region"() ({
        %run_scoped3A_57 = tpu.sem_alloc : memref<!tpu.dma_semaphore, #tpu.memory_space<semaphore_mem>>
        %dma_start3A_58 = arith.constant 0 : i32
        %dma_start3A_59 = tpu.memref_slice %arg8[%mul3A_29, %dma_start3A_58] : memref<40x128xi32, #tpu.memory_space<vmem>> -> memref<1x128xi32, #tpu.memory_space<vmem>>
        %dma_start3A_60 = tpu.memref_squeeze %dma_start3A_59 : memref<1x128xi32, #tpu.memory_space<vmem>> -> memref<128xi32, #tpu.memory_space<vmem>>
        %dma_start3A_61 = arith.constant 0 : i32
        %dma_start3A_62 = arith.constant 0 : i32
        %dma_start3A_63 = tpu.memref_slice %arg11[%dma_start3A_61, %dma_start3A_62] : memref<10240x128xf32, #tpu.memory_space<vmem_shared>> -> memref<10240x128xf32, #tpu.memory_space<vmem_shared>>
        tpu.enqueue_indirect_dma source(%arg9 : memref<128x128xf32, #tpu.memory_space<vmem>>) target(%dma_start3A_63 : memref<10240x128xf32, #tpu.memory_space<vmem_shared>>) offsets(%dma_start3A_60 : memref<128xi32, #tpu.memory_space<vmem>>) semaphore(%run_scoped3A_57 : memref<!tpu.dma_semaphore, #tpu.memory_space<semaphore_mem>>) {add = true}
        %dma_wait3A_64 = arith.constant 0 : i32
        %dma_wait3A_65 = tpu.memref_slice %arg8[%mul3A_29, %dma_wait3A_64] : memref<40x128xi32, #tpu.memory_space<vmem>> -> memref<1x128xi32, #tpu.memory_space<vmem>>
        %dma_wait3A_66 = tpu.memref_squeeze %dma_wait3A_65 : memref<1x128xi32, #tpu.memory_space<vmem>> -> memref<128xi32, #tpu.memory_space<vmem>>
        %dma_wait3A_67 = arith.constant 0 : i32
        %dma_wait3A_68 = arith.constant 0 : i32
        %dma_wait3A_69 = tpu.memref_slice %arg11[%dma_wait3A_67, %dma_wait3A_68] : memref<10240x128xf32, #tpu.memory_space<vmem_shared>> -> memref<10240x128xf32, #tpu.memory_space<vmem_shared>>
        tpu.wait_indirect_dma semaphore(%run_scoped3A_57 : memref<!tpu.dma_semaphore, #tpu.memory_space<semaphore_mem>>) src(%arg9 : memref<128x128xf32, #tpu.memory_space<vmem>>) dst(%dma_wait3A_69 : memref<10240x128xf32, #tpu.memory_space<vmem_shared>>)
        tpu.yield
      }) : () -> ()
      %dma_wait3A_48 = arith.constant 0 : i32
      %dma_wait3A_49 = tpu.memref_slice %arg7[%add3A_36, %dma_wait3A_48] : memref<40x128xi32, #tpu.memory_space<vmem>> -> memref<1x128xi32, #tpu.memory_space<vmem>>
      %dma_wait3A_50 = tpu.memref_squeeze %dma_wait3A_49 : memref<1x128xi32, #tpu.memory_space<vmem>> -> memref<128xi32, #tpu.memory_space<vmem>>
      %dma_wait3A_51 = arith.constant 0 : i32
      %dma_wait3A_52 = arith.constant 0 : i32
      %dma_wait3A_53 = tpu.memref_slice %arg2[%dma_wait3A_51, %dma_wait3A_52] : memref<10000x128xf32, #tpu.memory_space<hbm>> -> memref<10000x128xf32, #tpu.memory_space<hbm>>
      tpu.wait_indirect_dma semaphore(%arg13 : memref<!tpu.dma_semaphore, #tpu.memory_space<semaphore_mem>>) src(%dma_wait3A_53 : memref<10000x128xf32, #tpu.memory_space<hbm>>) dst(%arg10 : memref<128x128xf32, #tpu.memory_space<vmem>>)
      %add3A_54 = arith.constant 1 : i32
      %add3A_55 = arith.addi %mul3A_29, %add3A_54 : i32
      "tpu.region"() ({
        %run_scoped3A_57 = tpu.sem_alloc : memref<!tpu.dma_semaphore, #tpu.memory_space<semaphore_mem>>
        %dma_start3A_58 = arith.constant 0 : i32
        %dma_start3A_59 = tpu.memref_slice %arg8[%add3A_55, %dma_start3A_58] : memref<40x128xi32, #tpu.memory_space<vmem>> -> memref<1x128xi32, #tpu.memory_space<vmem>>
        %dma_start3A_60 = tpu.memref_squeeze %dma_start3A_59 : memref<1x128xi32, #tpu.memory_space<vmem>> -> memref<128xi32, #tpu.memory_space<vmem>>
        %dma_start3A_61 = arith.constant 0 : i32
        %dma_start3A_62 = arith.constant 0 : i32
        %dma_start3A_63 = tpu.memref_slice %arg11[%dma_start3A_61, %dma_start3A_62] : memref<10240x128xf32, #tpu.memory_space<vmem_shared>> -> memref<10240x128xf32, #tpu.memory_space<vmem_shared>>
        tpu.enqueue_indirect_dma source(%arg10 : memref<128x128xf32, #tpu.memory_space<vmem>>) target(%dma_start3A_63 : memref<10240x128xf32, #tpu.memory_space<vmem_shared>>) offsets(%dma_start3A_60 : memref<128xi32, #tpu.memory_space<vmem>>) semaphore(%run_scoped3A_57 : memref<!tpu.dma_semaphore, #tpu.memory_space<semaphore_mem>>) {add = true}
        %dma_wait3A_64 = arith.constant 0 : i32
        %dma_wait3A_65 = tpu.memref_slice %arg8[%add3A_55, %dma_wait3A_64] : memref<40x128xi32, #tpu.memory_space<vmem>> -> memref<1x128xi32, #tpu.memory_space<vmem>>
        %dma_wait3A_66 = tpu.memref_squeeze %dma_wait3A_65 : memref<1x128xi32, #tpu.memory_space<vmem>> -> memref<128xi32, #tpu.memory_space<vmem>>
        %dma_wait3A_67 = arith.constant 0 : i32
        %dma_wait3A_68 = arith.constant 0 : i32
        %dma_wait3A_69 = tpu.memref_slice %arg11[%dma_wait3A_67, %dma_wait3A_68] : memref<10240x128xf32, #tpu.memory_space<vmem_shared>> -> memref<10240x128xf32, #tpu.memory_space<vmem_shared>>
        tpu.wait_indirect_dma semaphore(%run_scoped3A_57 : memref<!tpu.dma_semaphore, #tpu.memory_space<semaphore_mem>>) src(%arg10 : memref<128x128xf32, #tpu.memory_space<vmem>>) dst(%dma_wait3A_69 : memref<10240x128xf32, #tpu.memory_space<vmem_shared>>)
        tpu.yield
      }) : () -> ()
      %scan3A_56 = arith.constant 0 : i32
      scf.yield %scan3A_56 : i32
    }
    %scan3A_11 = arith.constant 20 : i32
    %run_scoped3A_12 = arith.constant 1 : i32
    "tpu.region"() ({
      %run_scoped3A_26 = tpu.sem_alloc : memref<!tpu.dma_semaphore, #tpu.memory_space<semaphore_mem>>
      %dma_start3A = arith.constant 0 : i32
      %dma_start3A_27 = arith.constant 0 : i32
      %dma_start3A_28 = tpu.memref_slice %arg3[%add3A, %run_scoped3A_12, %dma_start3A, %dma_start3A_27] : memref<32x2x40x128xi32, #tpu.memory_space<hbm>> -> memref<1x1x40x128xi32, #tpu.memory_space<hbm>>
      %dma_start3A_29 = tpu.memref_squeeze %dma_start3A_28 : memref<1x1x40x128xi32, #tpu.memory_space<hbm>> -> memref<40x128xi32, #tpu.memory_space<hbm>>
      %dma_start3A_30 = arith.constant 0 : i32
      %dma_start3A_31 = arith.constant 0 : i32
      %dma_start3A_32 = tpu.memref_slice %arg3[%add3A, %run_scoped3A_12, %dma_start3A_30, %dma_start3A_31] : memref<32x2x40x128xi32, #tpu.memory_space<hbm>> -> memref<1x1x40x128xi32, #tpu.memory_space<hbm>>
      %dma_start3A_33 = tpu.memref_squeeze %dma_start3A_32 : memref<1x1x40x128xi32, #tpu.memory_space<hbm>> -> memref<40x128xi32, #tpu.memory_space<hbm>>
      tpu.enqueue_dma source(%dma_start3A_33 : memref<40x128xi32, #tpu.memory_space<hbm>>) target(%arg7 : memref<40x128xi32, #tpu.memory_space<vmem>>) target_semaphore(%run_scoped3A_26 : memref<!tpu.dma_semaphore, #tpu.memory_space<semaphore_mem>>)
      %dma_wait3A = arith.constant 0 : i32
      %dma_wait3A_34 = arith.constant 0 : i32
      %dma_wait3A_35 = tpu.memref_slice %arg3[%add3A, %run_scoped3A_12, %dma_wait3A, %dma_wait3A_34] : memref<32x2x40x128xi32, #tpu.memory_space<hbm>> -> memref<1x1x40x128xi32, #tpu.memory_space<hbm>>
      %dma_wait3A_36 = tpu.memref_squeeze %dma_wait3A_35 : memref<1x1x40x128xi32, #tpu.memory_space<hbm>> -> memref<40x128xi32, #tpu.memory_space<hbm>>
      %dma_wait3A_37 = arith.constant 0 : i32
      %dma_wait3A_38 = arith.constant 0 : i32
      %dma_wait3A_39 = tpu.memref_slice %arg3[%add3A, %run_scoped3A_12, %dma_wait3A_37, %dma_wait3A_38] : memref<32x2x40x128xi32, #tpu.memory_space<hbm>> -> memref<1x1x40x128xi32, #tpu.memory_space<hbm>>
      %dma_wait3A_40 = tpu.memref_squeeze %dma_wait3A_39 : memref<1x1x40x128xi32, #tpu.memory_space<hbm>> -> memref<40x128xi32, #tpu.memory_space<hbm>>
      tpu.wait_dma2 semaphore(%run_scoped3A_26 : memref<!tpu.dma_semaphore, #tpu.memory_space<semaphore_mem>>) src(%dma_wait3A_40 : memref<40x128xi32, #tpu.memory_space<hbm>>) dst(%arg7 : memref<40x128xi32, #tpu.memory_space<vmem>>)
      tpu.yield
    }) : () -> ()
    %run_scoped3A_13 = arith.constant 1 : i32
    "tpu.region"() ({
      %run_scoped3A_26 = tpu.sem_alloc : memref<!tpu.dma_semaphore, #tpu.memory_space<semaphore_mem>>
      %dma_start3A = arith.constant 0 : i32
      %dma_start3A_27 = arith.constant 0 : i32
      %dma_start3A_28 = tpu.memref_slice %arg4[%add3A, %run_scoped3A_13, %dma_start3A, %dma_start3A_27] : memref<32x2x40x128xi32, #tpu.memory_space<hbm>> -> memref<1x1x40x128xi32, #tpu.memory_space<hbm>>
      %dma_start3A_29 = tpu.memref_squeeze %dma_start3A_28 : memref<1x1x40x128xi32, #tpu.memory_space<hbm>> -> memref<40x128xi32, #tpu.memory_space<hbm>>
      %dma_start3A_30 = arith.constant 0 : i32
      %dma_start3A_31 = arith.constant 0 : i32
      %dma_start3A_32 = tpu.memref_slice %arg4[%add3A, %run_scoped3A_13, %dma_start3A_30, %dma_start3A_31] : memref<32x2x40x128xi32, #tpu.memory_space<hbm>> -> memref<1x1x40x128xi32, #tpu.memory_space<hbm>>
      %dma_start3A_33 = tpu.memref_squeeze %dma_start3A_32 : memref<1x1x40x128xi32, #tpu.memory_space<hbm>> -> memref<40x128xi32, #tpu.memory_space<hbm>>
      tpu.enqueue_dma source(%dma_start3A_33 : memref<40x128xi32, #tpu.memory_space<hbm>>) target(%arg8 : memref<40x128xi32, #tpu.memory_space<vmem>>) target_semaphore(%run_scoped3A_26 : memref<!tpu.dma_semaphore, #tpu.memory_space<semaphore_mem>>)
      %dma_wait3A = arith.constant 0 : i32
      %dma_wait3A_34 = arith.constant 0 : i32
      %dma_wait3A_35 = tpu.memref_slice %arg4[%add3A, %run_scoped3A_13, %dma_wait3A, %dma_wait3A_34] : memref<32x2x40x128xi32, #tpu.memory_space<hbm>> -> memref<1x1x40x128xi32, #tpu.memory_space<hbm>>
      %dma_wait3A_36 = tpu.memref_squeeze %dma_wait3A_35 : memref<1x1x40x128xi32, #tpu.memory_space<hbm>> -> memref<40x128xi32, #tpu.memory_space<hbm>>
      %dma_wait3A_37 = arith.constant 0 : i32
      %dma_wait3A_38 = arith.constant 0 : i32
      %dma_wait3A_39 = tpu.memref_slice %arg4[%add3A, %run_scoped3A_13, %dma_wait3A_37, %dma_wait3A_38] : memref<32x2x40x128xi32, #tpu.memory_space<hbm>> -> memref<1x1x40x128xi32, #tpu.memory_space<hbm>>
      %dma_wait3A_40 = tpu.memref_squeeze %dma_wait3A_39 : memref<1x1x40x128xi32, #tpu.memory_space<hbm>> -> memref<40x128xi32, #tpu.memory_space<hbm>>
      tpu.wait_dma2 semaphore(%run_scoped3A_26 : memref<!tpu.dma_semaphore, #tpu.memory_space<semaphore_mem>>) src(%dma_wait3A_40 : memref<40x128xi32, #tpu.memory_space<hbm>>) dst(%arg8 : memref<40x128xi32, #tpu.memory_space<vmem>>)
      tpu.yield
    }) : () -> ()
    %scan3A_14 = arith.constant 0 : i32
    %scan3A_15 = arith.constant 0 : i32
    %scan3A_16 = arith.constant 20 : i32
    %scan3A_17 = arith.addi %scan3A_15, %scan3A_16 : i32
    %scan3A_18 = arith.constant 1 : i32
    %scan3A_19 = scf.for %scan3A_26 = %scan3A_15 to %scan3A_17 step %scan3A_18 iter_args(%scan3A_27 = %scan3A_14) -> (i32)  : i32 {
      %mul3A_28 = arith.constant 2 : i32
      %mul3A_29 = arith.muli %mul3A_28, %scan3A_26 : i32
      %dma_start3A = arith.constant 0 : i32
      %dma_start3A_30 = tpu.memref_slice %arg7[%mul3A_29, %dma_start3A] : memref<40x128xi32, #tpu.memory_space<vmem>> -> memref<1x128xi32, #tpu.memory_space<vmem>>
      %dma_start3A_31 = tpu.memref_squeeze %dma_start3A_30 : memref<1x128xi32, #tpu.memory_space<vmem>> -> memref<128xi32, #tpu.memory_space<vmem>>
      %dma_start3A_32 = arith.constant 0 : i32
      %dma_start3A_33 = arith.constant 0 : i32
      %dma_start3A_34 = tpu.memref_slice %arg2[%dma_start3A_32, %dma_start3A_33] : memref<10000x128xf32, #tpu.memory_space<hbm>> -> memref<10000x128xf32, #tpu.memory_space<hbm>>
      tpu.enqueue_indirect_dma source(%dma_start3A_34 : memref<10000x128xf32, #tpu.memory_space<hbm>>) target(%arg9 : memref<128x128xf32, #tpu.memory_space<vmem>>) offsets(%dma_start3A_31 : memref<128xi32, #tpu.memory_space<vmem>>) semaphore(%arg12 : memref<!tpu.dma_semaphore, #tpu.memory_space<semaphore_mem>>)
      %add3A_35 = arith.constant 1 : i32
      %add3A_36 = arith.addi %mul3A_29, %add3A_35 : i32
      %dma_start3A_37 = arith.constant 0 : i32
      %dma_start3A_38 = tpu.memref_slice %arg7[%add3A_36, %dma_start3A_37] : memref<40x128xi32, #tpu.memory_space<vmem>> -> memref<1x128xi32, #tpu.memory_space<vmem>>
      %dma_start3A_39 = tpu.memref_squeeze %dma_start3A_38 : memref<1x128xi32, #tpu.memory_space<vmem>> -> memref<128xi32, #tpu.memory_space<vmem>>
      %dma_start3A_40 = arith.constant 0 : i32
      %dma_start3A_41 = arith.constant 0 : i32
      %dma_start3A_42 = tpu.memref_slice %arg2[%dma_start3A_40, %dma_start3A_41] : memref<10000x128xf32, #tpu.memory_space<hbm>> -> memref<10000x128xf32, #tpu.memory_space<hbm>>
      tpu.enqueue_indirect_dma source(%dma_start3A_42 : memref<10000x128xf32, #tpu.memory_space<hbm>>) target(%arg10 : memref<128x128xf32, #tpu.memory_space<vmem>>) offsets(%dma_start3A_39 : memref<128xi32, #tpu.memory_space<vmem>>) semaphore(%arg13 : memref<!tpu.dma_semaphore, #tpu.memory_space<semaphore_mem>>)
      %dma_wait3A = arith.constant 0 : i32
      %dma_wait3A_43 = tpu.memref_slice %arg7[%mul3A_29, %dma_wait3A] : memref<40x128xi32, #tpu.memory_space<vmem>> -> memref<1x128xi32, #tpu.memory_space<vmem>>
      %dma_wait3A_44 = tpu.memref_squeeze %dma_wait3A_43 : memref<1x128xi32, #tpu.memory_space<vmem>> -> memref<128xi32, #tpu.memory_space<vmem>>
      %dma_wait3A_45 = arith.constant 0 : i32
      %dma_wait3A_46 = arith.constant 0 : i32
      %dma_wait3A_47 = tpu.memref_slice %arg2[%dma_wait3A_45, %dma_wait3A_46] : memref<10000x128xf32, #tpu.memory_space<hbm>> -> memref<10000x128xf32, #tpu.memory_space<hbm>>
      tpu.wait_indirect_dma semaphore(%arg12 : memref<!tpu.dma_semaphore, #tpu.memory_space<semaphore_mem>>) src(%dma_wait3A_47 : memref<10000x128xf32, #tpu.memory_space<hbm>>) dst(%arg9 : memref<128x128xf32, #tpu.memory_space<vmem>>)
      "tpu.region"() ({
        %run_scoped3A_57 = tpu.sem_alloc : memref<!tpu.dma_semaphore, #tpu.memory_space<semaphore_mem>>
        %dma_start3A_58 = arith.constant 0 : i32
        %dma_start3A_59 = tpu.memref_slice %arg8[%mul3A_29, %dma_start3A_58] : memref<40x128xi32, #tpu.memory_space<vmem>> -> memref<1x128xi32, #tpu.memory_space<vmem>>
        %dma_start3A_60 = tpu.memref_squeeze %dma_start3A_59 : memref<1x128xi32, #tpu.memory_space<vmem>> -> memref<128xi32, #tpu.memory_space<vmem>>
        %dma_start3A_61 = arith.constant 0 : i32
        %dma_start3A_62 = arith.constant 0 : i32
        %dma_start3A_63 = tpu.memref_slice %arg11[%dma_start3A_61, %dma_start3A_62] : memref<10240x128xf32, #tpu.memory_space<vmem_shared>> -> memref<10240x128xf32, #tpu.memory_space<vmem_shared>>
        tpu.enqueue_indirect_dma source(%arg9 : memref<128x128xf32, #tpu.memory_space<vmem>>) target(%dma_start3A_63 : memref<10240x128xf32, #tpu.memory_space<vmem_shared>>) offsets(%dma_start3A_60 : memref<128xi32, #tpu.memory_space<vmem>>) semaphore(%run_scoped3A_57 : memref<!tpu.dma_semaphore, #tpu.memory_space<semaphore_mem>>) {add = true}
        %dma_wait3A_64 = arith.constant 0 : i32
        %dma_wait3A_65 = tpu.memref_slice %arg8[%mul3A_29, %dma_wait3A_64] : memref<40x128xi32, #tpu.memory_space<vmem>> -> memref<1x128xi32, #tpu.memory_space<vmem>>
        %dma_wait3A_66 = tpu.memref_squeeze %dma_wait3A_65 : memref<1x128xi32, #tpu.memory_space<vmem>> -> memref<128xi32, #tpu.memory_space<vmem>>
        %dma_wait3A_67 = arith.constant 0 : i32
        %dma_wait3A_68 = arith.constant 0 : i32
        %dma_wait3A_69 = tpu.memref_slice %arg11[%dma_wait3A_67, %dma_wait3A_68] : memref<10240x128xf32, #tpu.memory_space<vmem_shared>> -> memref<10240x128xf32, #tpu.memory_space<vmem_shared>>
        tpu.wait_indirect_dma semaphore(%run_scoped3A_57 : memref<!tpu.dma_semaphore, #tpu.memory_space<semaphore_mem>>) src(%arg9 : memref<128x128xf32, #tpu.memory_space<vmem>>) dst(%dma_wait3A_69 : memref<10240x128xf32, #tpu.memory_space<vmem_shared>>)
        tpu.yield
      }) : () -> ()
      %dma_wait3A_48 = arith.constant 0 : i32
      %dma_wait3A_49 = tpu.memref_slice %arg7[%add3A_36, %dma_wait3A_48] : memref<40x128xi32, #tpu.memory_space<vmem>> -> memref<1x128xi32, #tpu.memory_space<vmem>>
      %dma_wait3A_50 = tpu.memref_squeeze %dma_wait3A_49 : memref<1x128xi32, #tpu.memory_space<vmem>> -> memref<128xi32, #tpu.memory_space<vmem>>
      %dma_wait3A_51 = arith.constant 0 : i32
      %dma_wait3A_52 = arith.constant 0 : i32
      %dma_wait3A_53 = tpu.memref_slice %arg2[%dma_wait3A_51, %dma_wait3A_52] : memref<10000x128xf32, #tpu.memory_space<hbm>> -> memref<10000x128xf32, #tpu.memory_space<hbm>>
      tpu.wait_indirect_dma semaphore(%arg13 : memref<!tpu.dma_semaphore, #tpu.memory_space<semaphore_mem>>) src(%dma_wait3A_53 : memref<10000x128xf32, #tpu.memory_space<hbm>>) dst(%arg10 : memref<128x128xf32, #tpu.memory_space<vmem>>)
      %add3A_54 = arith.constant 1 : i32
      %add3A_55 = arith.addi %mul3A_29, %add3A_54 : i32
      "tpu.region"() ({
        %run_scoped3A_57 = tpu.sem_alloc : memref<!tpu.dma_semaphore, #tpu.memory_space<semaphore_mem>>
        %dma_start3A_58 = arith.constant 0 : i32
        %dma_start3A_59 = tpu.memref_slice %arg8[%add3A_55, %dma_start3A_58] : memref<40x128xi32, #tpu.memory_space<vmem>> -> memref<1x128xi32, #tpu.memory_space<vmem>>
        %dma_start3A_60 = tpu.memref_squeeze %dma_start3A_59 : memref<1x128xi32, #tpu.memory_space<vmem>> -> memref<128xi32, #tpu.memory_space<vmem>>
        %dma_start3A_61 = arith.constant 0 : i32
        %dma_start3A_62 = arith.constant 0 : i32
        %dma_start3A_63 = tpu.memref_slice %arg11[%dma_start3A_61, %dma_start3A_62] : memref<10240x128xf32, #tpu.memory_space<vmem_shared>> -> memref<10240x128xf32, #tpu.memory_space<vmem_shared>>
        tpu.enqueue_indirect_dma source(%arg10 : memref<128x128xf32, #tpu.memory_space<vmem>>) target(%dma_start3A_63 : memref<10240x128xf32, #tpu.memory_space<vmem_shared>>) offsets(%dma_start3A_60 : memref<128xi32, #tpu.memory_space<vmem>>) semaphore(%run_scoped3A_57 : memref<!tpu.dma_semaphore, #tpu.memory_space<semaphore_mem>>) {add = true}
        %dma_wait3A_64 = arith.constant 0 : i32
        %dma_wait3A_65 = tpu.memref_slice %arg8[%add3A_55, %dma_wait3A_64] : memref<40x128xi32, #tpu.memory_space<vmem>> -> memref<1x128xi32, #tpu.memory_space<vmem>>
        %dma_wait3A_66 = tpu.memref_squeeze %dma_wait3A_65 : memref<1x128xi32, #tpu.memory_space<vmem>> -> memref<128xi32, #tpu.memory_space<vmem>>
        %dma_wait3A_67 = arith.constant 0 : i32
        %dma_wait3A_68 = arith.constant 0 : i32
        %dma_wait3A_69 = tpu.memref_slice %arg11[%dma_wait3A_67, %dma_wait3A_68] : memref<10240x128xf32, #tpu.memory_space<vmem_shared>> -> memref<10240x128xf32, #tpu.memory_space<vmem_shared>>
        tpu.wait_indirect_dma semaphore(%run_scoped3A_57 : memref<!tpu.dma_semaphore, #tpu.memory_space<semaphore_mem>>) src(%arg10 : memref<128x128xf32, #tpu.memory_space<vmem>>) dst(%dma_wait3A_69 : memref<10240x128xf32, #tpu.memory_space<vmem_shared>>)
        tpu.yield
      }) : () -> ()
      %scan3A_56 = arith.constant 0 : i32
      scf.yield %scan3A_56 : i32
    }
    %scan3A_20 = arith.constant 20 : i32
    %barrier3A_21 = arith.constant 0 : index
    tpu.barrier barrier_id(%barrier3A_21)
    %mul3A_22 = arith.constant 640 : i32
    %mul3A_23 = arith.muli %arg1, %mul3A_22 : i32
    %mul3A_24 = arith.constant 640 : i32
    %mul3A_25 = arith.muli %arg1, %mul3A_24 : i32
    "tpu.region"() ({
      %run_scoped3A_26 = tpu.sem_alloc : memref<!tpu.dma_semaphore, #tpu.memory_space<semaphore_mem>>
      %dma_start3A = arith.constant 0 : i32
      %dma_start3A_27 = tpu.memref_slice %arg6[%arg0, %mul3A_25, %dma_start3A] : memref<2x10240x128xf32, #tpu.memory_space<hbm>> -> memref<1x640x128xf32, #tpu.memory_space<hbm>>
      %dma_start3A_28 = tpu.memref_squeeze %dma_start3A_27 : memref<1x640x128xf32, #tpu.memory_space<hbm>> -> memref<640x128xf32, #tpu.memory_space<hbm>>
      %dma_start3A_29 = arith.constant 0 : i32
      %dma_start3A_30 = tpu.memref_slice %arg11[%mul3A_23, %dma_start3A_29] : memref<10240x128xf32, #tpu.memory_space<vmem_shared>> -> memref<640x128xf32, #tpu.memory_space<vmem_shared>>
      tpu.enqueue_dma source(%dma_start3A_30 : memref<640x128xf32, #tpu.memory_space<vmem_shared>>) target(%dma_start3A_28 : memref<640x128xf32, #tpu.memory_space<hbm>>) target_semaphore(%run_scoped3A_26 : memref<!tpu.dma_semaphore, #tpu.memory_space<semaphore_mem>>)
      %dma_wait3A = arith.constant 0 : i32
      %dma_wait3A_31 = tpu.memref_slice %arg6[%arg0, %mul3A_25, %dma_wait3A] : memref<2x10240x128xf32, #tpu.memory_space<hbm>> -> memref<1x640x128xf32, #tpu.memory_space<hbm>>
      %dma_wait3A_32 = tpu.memref_squeeze %dma_wait3A_31 : memref<1x640x128xf32, #tpu.memory_space<hbm>> -> memref<640x128xf32, #tpu.memory_space<hbm>>
      %dma_wait3A_33 = arith.constant 0 : i32
      %dma_wait3A_34 = tpu.memref_slice %arg11[%mul3A_23, %dma_wait3A_33] : memref<10240x128xf32, #tpu.memory_space<vmem_shared>> -> memref<640x128xf32, #tpu.memory_space<vmem_shared>>
      tpu.wait_dma2 semaphore(%run_scoped3A_26 : memref<!tpu.dma_semaphore, #tpu.memory_space<semaphore_mem>>) src(%dma_wait3A_34 : memref<640x128xf32, #tpu.memory_space<vmem_shared>>) dst(%dma_wait3A_32 : memref<640x128xf32, #tpu.memory_space<hbm>>)
      tpu.yield
    }) : () -> ()
    return
  }
}

module attributes {stable_mosaic.version = 14 : i64} {
  func.func @_tc1_body(%arg0: memref<10000x128xf32, #tpu.memory_space<vmem>>, %arg1: memref<128x128xf32, #tpu.memory_space<vmem>>, %arg2: memref<32x10240xf32, #tpu.memory_space<vmem>>, %arg3: memref<10000x128xf32, #tpu.memory_space<vmem>>, %arg4: memref<10240xf32, #tpu.memory_space<vmem>>) attributes {dimension_semantics = [], scalar_prefetch = 0 : i64, scratch_operands = 0 : i64, tpu.core_type = #tpu.core_type<tc>} {
    %get3A = arith.constant 0 : index
    %get3A_0 = arith.constant 0 : index
    %get3A_1 = vector.load %arg2[%get3A, %get3A_0] : memref<32x10240xf32, #tpu.memory_space<vmem>>, vector<32x10240xf32>
    %reduce_sum3A = arith.constant dense<0.000000e+00> : vector<10240xf32>
    %reduce_sum3A_2 = vector.multi_reduction <add>, %get3A_1, %reduce_sum3A [0] : vector<32x10240xf32> to vector<10240xf32>
    %add3A = arith.constant 1.000000e+00 : f32
    %add3A_3 = vector.broadcast %add3A : f32 to vector<10240xf32>
    %add3A_4 = arith.addf %reduce_sum3A_2, %add3A_3 : vector<10240xf32>
    %rsqrt3A = math.rsqrt %add3A_4 : vector<10240xf32>
    %swap3A = arith.constant 0 : index
    %swap3A_5 = vector.load %arg4[%swap3A] : memref<10240xf32, #tpu.memory_space<vmem>>, vector<10240xf32>
    tpu.vector_store %arg4[%swap3A], %rsqrt3A {strides = array<i32>} : memref<10240xf32, #tpu.memory_space<vmem>>, vector<10240xf32>,
    %get3A_6 = arith.constant 0 : index
    %get3A_7 = arith.constant 0 : index
    %get3A_8 = vector.load %arg0[%get3A_6, %get3A_7] : memref<10000x128xf32, #tpu.memory_space<vmem>>, vector<10000x128xf32>
    %get3A_9 = arith.constant 0 : index
    %get3A_10 = arith.constant 0 : index
    %get3A_11 = vector.load %arg1[%get3A_9, %get3A_10] : memref<128x128xf32, #tpu.memory_space<vmem>>, vector<128x128xf32>
    %dot_general3A = arith.constant dense<0.000000e+00> : vector<10000x128xf32>
    %dot_general3A_12 = tpu.matmul %get3A_8, %get3A_11, %dot_general3A {dimension_numbers = #tpu.dot_dimension_numbers<[1], [0], [0], [1], [0, 0, 1, 1], [], []>, transpose_lhs_hint = false} : vector<10000x128xf32>, vector<128x128xf32>, vector<10000x128xf32> -> vector<10000x128xf32>
    %slice3A = vector.extract_strided_slice %rsqrt3A {offsets = [0], sizes = [10000], strides = [1]} : vector<10240xf32> to vector<10000xf32>
    %broadcast_in_dim3A = vector.shape_cast %slice3A : vector<10000xf32> to vector<10000x1xf32>
    %mul3A = vector.broadcast %broadcast_in_dim3A : vector<10000x1xf32> to vector<10000x128xf32>
    %mul3A_13 = arith.mulf %dot_general3A_12, %mul3A : vector<10000x128xf32>
    %swap3A_14 = arith.constant 0 : index
    %swap3A_15 = arith.constant 0 : index
    %swap3A_16 = vector.load %arg3[%swap3A_14, %swap3A_15] : memref<10000x128xf32, #tpu.memory_space<vmem>>, vector<10000x128xf32>
    tpu.vector_store %arg3[%swap3A_14, %swap3A_15], %mul3A_13 {strides = array<i32>} : memref<10000x128xf32, #tpu.memory_space<vmem>>, vector<10000x128xf32>,
    return
  }
}

module attributes {stable_mosaic.version = 14 : i64} {
  func.func @_tc2_body(%arg0: memref<2x10240x128xf32, #tpu.memory_space<vmem>>, %arg1: memref<10000x128xf32, #tpu.memory_space<vmem>>, %arg2: memref<10240xf32, #tpu.memory_space<vmem>>, %arg3: memref<128xf32, #tpu.memory_space<vmem>>, %arg4: memref<128x128xf32, #tpu.memory_space<vmem>>, %arg5: memref<10000x128xf32, #tpu.memory_space<vmem>>) attributes {dimension_semantics = [], scalar_prefetch = 0 : i64, scratch_operands = 0 : i64, tpu.core_type = #tpu.core_type<tc>} {
    %get3A = arith.constant 0 : index
    %get3A_0 = vector.load %arg2[%get3A] : memref<10240xf32, #tpu.memory_space<vmem>>, vector<10240xf32>
    %slice3A = vector.extract_strided_slice %get3A_0 {offsets = [0], sizes = [10000], strides = [1]} : vector<10240xf32> to vector<10000xf32>
    %broadcast_in_dim3A = vector.shape_cast %slice3A : vector<10000xf32> to vector<10000x1xf32>
    %get3A_1 = arith.constant 0 : index
    %get3A_2 = arith.constant 0 : index
    %get3A_3 = arith.constant 0 : index
    %get3A_4 = vector.load %arg0[%get3A_1, %get3A_2, %get3A_3] : memref<2x10240x128xf32, #tpu.memory_space<vmem>>, vector<1x10000x128xf32>
    %get3A_5 = vector.shape_cast %get3A_4 : vector<1x10000x128xf32> to vector<10000x128xf32>
    %get3A_6 = arith.constant 1 : index
    %get3A_7 = arith.constant 0 : index
    %get3A_8 = arith.constant 0 : index
    %get3A_9 = vector.load %arg0[%get3A_6, %get3A_7, %get3A_8] : memref<2x10240x128xf32, #tpu.memory_space<vmem>>, vector<1x10000x128xf32>
    %get3A_10 = vector.shape_cast %get3A_9 : vector<1x10000x128xf32> to vector<10000x128xf32>
    %add3A = arith.addf %get3A_5, %get3A_10 : vector<10000x128xf32>
    %get3A_11 = arith.constant 0 : index
    %get3A_12 = arith.constant 0 : index
    %get3A_13 = vector.load %arg1[%get3A_11, %get3A_12] : memref<10000x128xf32, #tpu.memory_space<vmem>>, vector<10000x128xf32>
    %add3A_14 = arith.addf %add3A, %get3A_13 : vector<10000x128xf32>
    %mul3A = vector.broadcast %broadcast_in_dim3A : vector<10000x1xf32> to vector<10000x128xf32>
    %mul3A_15 = arith.mulf %mul3A, %add3A_14 : vector<10000x128xf32>
    %get3A_16 = arith.constant 0 : index
    %get3A_17 = vector.load %arg3[%get3A_16] : memref<128xf32, #tpu.memory_space<vmem>>, vector<128xf32>
    %broadcast_in_dim3A_18 = vector.shape_cast %get3A_17 : vector<128xf32> to vector<1x128xf32>
    %add3A_19 = vector.broadcast %broadcast_in_dim3A_18 : vector<1x128xf32> to vector<10000x128xf32>
    %add3A_20 = arith.addf %mul3A_15, %add3A_19 : vector<10000x128xf32>
    %max3A = arith.constant 0.000000e+00 : f32
    %max3A_21 = vector.broadcast %max3A : f32 to vector<10000x128xf32>
    %max3A_22 = arith.maximumf %add3A_20, %max3A_21 : vector<10000x128xf32>
    %get3A_23 = arith.constant 0 : index
    %get3A_24 = arith.constant 0 : index
    %get3A_25 = vector.load %arg4[%get3A_23, %get3A_24] : memref<128x128xf32, #tpu.memory_space<vmem>>, vector<128x128xf32>
    %dot_general3A = arith.constant dense<0.000000e+00> : vector<10000x128xf32>
    %dot_general3A_26 = tpu.matmul %max3A_22, %get3A_25, %dot_general3A {dimension_numbers = #tpu.dot_dimension_numbers<[1], [0], [0], [1], [0, 0, 1, 1], [], []>, transpose_lhs_hint = false} : vector<10000x128xf32>, vector<128x128xf32>, vector<10000x128xf32> -> vector<10000x128xf32>
    %mul3A_27 = vector.broadcast %broadcast_in_dim3A : vector<10000x1xf32> to vector<10000x128xf32>
    %mul3A_28 = arith.mulf %dot_general3A_26, %mul3A_27 : vector<10000x128xf32>
    %swap3A = arith.constant 0 : index
    %swap3A_29 = arith.constant 0 : index
    %swap3A_30 = vector.load %arg5[%swap3A, %swap3A_29] : memref<10000x128xf32, #tpu.memory_space<vmem>>, vector<10000x128xf32>
    tpu.vector_store %arg5[%swap3A, %swap3A_29], %mul3A_28 {strides = array<i32>} : memref<10000x128xf32, #tpu.memory_space<vmem>>, vector<10000x128xf32>,
    return
  }
}

module attributes {stable_mosaic.version = 14 : i64} {
  func.func @_tc3_body(%arg0: memref<2x10240x128xf32, #tpu.memory_space<vmem>>, %arg1: memref<10000x128xf32, #tpu.memory_space<vmem>>, %arg2: memref<10240xf32, #tpu.memory_space<vmem>>, %arg3: memref<128xf32, #tpu.memory_space<vmem>>, %arg4: memref<10000x128xf32, #tpu.memory_space<vmem>>) attributes {dimension_semantics = [], scalar_prefetch = 0 : i64, scratch_operands = 0 : i64, tpu.core_type = #tpu.core_type<tc>} {
    %get3A = arith.constant 0 : index
    %get3A_0 = vector.load %arg2[%get3A] : memref<10240xf32, #tpu.memory_space<vmem>>, vector<10240xf32>
    %slice3A = vector.extract_strided_slice %get3A_0 {offsets = [0], sizes = [10000], strides = [1]} : vector<10240xf32> to vector<10000xf32>
    %broadcast_in_dim3A = vector.shape_cast %slice3A : vector<10000xf32> to vector<10000x1xf32>
    %get3A_1 = arith.constant 0 : index
    %get3A_2 = arith.constant 0 : index
    %get3A_3 = arith.constant 0 : index
    %get3A_4 = vector.load %arg0[%get3A_1, %get3A_2, %get3A_3] : memref<2x10240x128xf32, #tpu.memory_space<vmem>>, vector<1x10000x128xf32>
    %get3A_5 = vector.shape_cast %get3A_4 : vector<1x10000x128xf32> to vector<10000x128xf32>
    %get3A_6 = arith.constant 1 : index
    %get3A_7 = arith.constant 0 : index
    %get3A_8 = arith.constant 0 : index
    %get3A_9 = vector.load %arg0[%get3A_6, %get3A_7, %get3A_8] : memref<2x10240x128xf32, #tpu.memory_space<vmem>>, vector<1x10000x128xf32>
    %get3A_10 = vector.shape_cast %get3A_9 : vector<1x10000x128xf32> to vector<10000x128xf32>
    %add3A = arith.addf %get3A_5, %get3A_10 : vector<10000x128xf32>
    %get3A_11 = arith.constant 0 : index
    %get3A_12 = arith.constant 0 : index
    %get3A_13 = vector.load %arg1[%get3A_11, %get3A_12] : memref<10000x128xf32, #tpu.memory_space<vmem>>, vector<10000x128xf32>
    %add3A_14 = arith.addf %add3A, %get3A_13 : vector<10000x128xf32>
    %mul3A = vector.broadcast %broadcast_in_dim3A : vector<10000x1xf32> to vector<10000x128xf32>
    %mul3A_15 = arith.mulf %mul3A, %add3A_14 : vector<10000x128xf32>
    %get3A_16 = arith.constant 0 : index
    %get3A_17 = vector.load %arg3[%get3A_16] : memref<128xf32, #tpu.memory_space<vmem>>, vector<128xf32>
    %broadcast_in_dim3A_18 = vector.shape_cast %get3A_17 : vector<128xf32> to vector<1x128xf32>
    %add3A_19 = vector.broadcast %broadcast_in_dim3A_18 : vector<1x128xf32> to vector<10000x128xf32>
    %add3A_20 = arith.addf %mul3A_15, %add3A_19 : vector<10000x128xf32>
    %swap3A = arith.constant 0 : index
    %swap3A_21 = arith.constant 0 : index
    %swap3A_22 = vector.load %arg4[%swap3A, %swap3A_21] : memref<10000x128xf32, #tpu.memory_space<vmem>>, vector<10000x128xf32>
    tpu.vector_store %arg4[%swap3A, %swap3A_21], %add3A_20 {strides = array<i32>} : memref<10000x128xf32, #tpu.memory_space<vmem>>, vector<10000x128xf32>,
    return
  }
}

</mosaic_0001>

<sc_bundles>
// kernel: kernel.11.cloned.1.call-start
scs
__scs_entry_jumppad:
0x0: {  	(pc) =	sbr.rel $0x88, $3  }
0x1: {  	(tag) =	ssettag $0x0;
	lr =	simm.s32 $0x1  }
0x2: {  	[smem:$0x3F9B] =	sst lr;
	_ =	strace $0xD0000000  }
0x3: {  	_ = 	snop  }
0x4: {  	_ = 	snop  }
0x5: {  	_ = 	snop  }
0x6: {  	_ = 	snop  }
0x7: {  	_ = 	snop  }
__scs_overlays_trampoline_lowered:
0x8: {  	[smem:$0x3FAA] =	sst s0  }
0x9: {  	[smem:$0x3FAB] =	sst s1  }
0xa: {  	[smem:$0x3FAC] =	sst s2  }
0xb: {  	[smem:$0x3FAD] =	sst s3  }
0xc: {  	[smem:$0x3FAE] =	sst s4  }
0xd: {  	[smem:$0x3FAF] =	sst s5  }
0xe: {  	[smem:$0x3FB0] =	sst s6  }
0xf: {  	[smem:$0x3FB1] =	sst s7  }
0x10: {  	[smem:$0x3FB2] =	sst s8  }
0x11: {  	[smem:$0x3FB3] =	sst s9;
	s0 =	simm.s32 @!p0 $0x0  }
0x12: {  	s1 =	sld [smem:$0x3F99];
	s0 =	simm.s32 @p0 $0x1  }
0x13: {  	[smem:$0x3FB4] =	sst s0;
	s0 =	simm.s32 @!p1 $0x0  }
0x14: {  	s2 =	sld [smem:$0x3F98];
	s0 =	simm.s32 @p1 $0x1  }
0x15: {  	[smem:$0x3FB5] =	sst s0;
	s0 =	simm.s32 @!p2 $0x0  }
0x16: {  	s3 =	sld [smem:$0x3FDB];
	s0 =	simm.s32 @p2 $0x1  }
0x17: {  	s4 =	simm.s32 $0x1BF5;
	[smem:$0x3FB7] =	sst s0  }
0x18: {  	s0 =	sld [smem:$0x3F9A];
	_ =	swait.ge [sflag:s4], $0x0  }
0x19: {  	s7 =	sld [smem:$0x3F9B]  }
0x1a: {  	s8 =	sadd.s32 $0xFFFFE003, lr  }
0x1b: {  	s9 =	sadd.s32 $0xFFFFFEF7, lr;
	s5 =	simm.s32 $0xFFFFFFFF;
	p2 =	slt.u32 s8, $0xFFFFF086  }
0x1c: {  	p1 =	slt.u32 s9, $0xF7A;
	s5 =	simm.s32 @!p2 $0x0  }
0x1d: {  	s5 =	simm.s32 @p1 $0x1;
	p0 =	seq.s32 s7, s2  }
0x1e: {  	s7 =	smul.u32 @!p0 $0xF7A, s2;
	p2 =	seq.s32 @!p0 s5, $0x0  }
0x1f: {  	s9 =	smul.u32 $0xF7A, s1;
	s8 =	simm.s32 @!p0 $0x1BF5;
	p2 =	por !p2, p0  }
0x20: {  	[sflag:s8] =	ssyncset.s32 @!p0 $0xFFFFF086;
	s6 =	sadd.s32 @!p0 s3, s7;
	s7 =	simm.s32 @!p0 $0x108  }
0x21: {  	s3 =	sadd.s32 s3, s9;
	s6 =	sadd.s32 @!p0 $0x88, s6;
	s7 =	simm.s32 @p2 $0x1082  }
0x22: {  	[simem:s7], [sflag:s8] =	dma.local @!p0 [hbm:s6], $0xF7A  }
0x23: {  	s9 =	sor.u32 $0xD0000000, s2;
	s6 =	simm.s32 $0x108;
	_ =	swait.ge @!p0 [sflag:s8], $0x0  }
0x24: {  	s3 =	sadd.s32 $0x88, s3;
	s6 =	simm.s32 @!p1 $0x1082;
	[sflag:s4] =	ssyncset.s32 $0xFFFFF086  }
0x25: {  	[simem:s6], [sflag:s4] =	dma.local [hbm:s3], $0xF7A  }
0x26: {  	[smem:$0x3F9B] =	sst s1;
	(tag) =	ssettag s2;
	_ =	strace s9  }
0x27: {  	s1 =	sld [smem:$0x3FAB]  }
0x28: {  	s2 =	sld [smem:$0x3FAC]  }
0x29: {  	s4 =	sld [smem:$0x3FAE]  }
0x2a: {  	p0 =	seq.s32 s5, $0x0;
	s5 =	sld [smem:$0x3FAF]  }
0x2b: {  	s6 =	sld [smem:$0x3FB0]  }
0x2c: {  	s7 =	sld [smem:$0x3FB1]  }
0x2d: {  	s3 =	simm.s32 $0x108;
	s8 =	sld [smem:$0x3FB2]  }
0x2e: {  	s3 =	simm.s32 @!p0 $0x1082;
	s9 =	sld [smem:$0x3FB3]  }
0x2f: {  	lr =	sadd.s32 s0, s3;
	s0 =	sld [smem:$0x3FAA]  }
0x30: {  	s3 =	sld [smem:$0x3FAD]  }
0x31: {  	[smem:$0x3FB6] =	sst s10  }
0x32: {  	s10 =	sld [smem:$0x3FB4];
	_ =	sdelay $0x3  }
0x33: {  	p0 =	seq.s32 s10, $0x1;
	s10 =	sld [smem:$0x3FB6];
	_ =	sdelay $0x3  }
0x34: {  	[smem:$0x3FB6] =	sst s10  }
0x35: {  	s10 =	sld [smem:$0x3FB5];
	_ =	sdelay $0x3  }
0x36: {  	p1 =	seq.s32 s10, $0x1;
	s10 =	sld [smem:$0x3FB6];
	_ =	sdelay $0x3  }
0x37: {  	[smem:$0x3FB6] =	sst s10  }
0x38: {  	s10 =	sld [smem:$0x3FB7]  }
0x39: {  	_ = 	snop;
	(pc) =	sbr.ind lr, $3  }
0x3a: {  	_ = 	snop  }
0x3b: {  	_ = 	snop  }
0x3c: {  	p2 =	seq.s32 s10, $0x1;
	s10 =	sld [smem:$0x3FB6]  }
0x3d: {  	_ =	shalt  }
0x3e: {  	_ =	shalt  }
0x3f: {  	_ =	shalt  }
0x40: {  	_ =	shalt  }
0x41: {  	_ =	shalt  }
0x42: {  	_ =	shalt  }
0x43: {  	_ =	shalt  }
0x44: {  	_ =	shalt  }
0x45: {  	_ =	shalt  }
0x46: {  	_ =	shalt  }
0x47: {  	_ =	shalt  }
0x48: {  	_ =	shalt  }
0x49: {  	_ =	shalt  }
0x4a: {  	_ =	shalt  }
0x4b: {  	_ =	shalt  }
0x4c: {  	_ =	shalt  }
0x4d: {  	_ =	shalt  }
0x4e: {  	_ =	shalt  }
0x4f: {  	_ =	shalt  }
0x50: {  	_ =	shalt  }
0x51: {  	_ =	shalt  }
0x52: {  	_ =	shalt  }
0x53: {  	_ =	shalt  }
0x54: {  	_ =	shalt  }
0x55: {  	_ =	shalt  }
0x56: {  	_ =	shalt  }
0x57: {  	_ =	shalt  }
0x58: {  	_ =	shalt  }
0x59: {  	_ =	shalt  }
0x5a: {  	_ =	shalt  }
0x5b: {  	_ =	shalt  }
0x5c: {  	_ =	shalt  }
0x5d: {  	_ =	shalt  }
0x5e: {  	_ =	shalt  }
0x5f: {  	_ =	shalt  }
0x60: {  	_ =	shalt  }
0x61: {  	_ =	shalt  }
0x62: {  	_ =	shalt  }
0x63: {  	_ =	shalt  }
0x64: {  	_ =	shalt  }
0x65: {  	_ =	shalt  }
0x66: {  	_ =	shalt  }
0x67: {  	_ =	shalt  }
0x68: {  	_ =	shalt  }
0x69: {  	_ =	shalt  }
0x6a: {  	_ =	shalt  }
0x6b: {  	_ =	shalt  }
0x6c: {  	_ =	shalt  }
0x6d: {  	_ =	shalt  }
0x6e: {  	_ =	shalt  }
0x6f: {  	_ =	shalt  }
0x70: {  	_ =	shalt  }
0x71: {  	_ =	shalt  }
0x72: {  	_ =	shalt  }
0x73: {  	_ =	shalt  }
0x74: {  	_ =	shalt  }
0x75: {  	_ =	shalt  }
0x76: {  	_ =	shalt  }
0x77: {  	_ =	shalt  }
0x78: {  	_ =	shalt  }
0x79: {  	_ =	shalt  }
0x7a: {  	_ =	shalt  }
0x7b: {  	_ =	shalt  }
0x7c: {  	_ =	shalt  }
0x7d: {  	_ =	shalt  }
0x7e: {  	_ =	shalt  }
0x7f: {  	_ =	shalt  }
0x80: {  	_ =	shalt  }
0x81: {  	_ =	shalt  }
0x82: {  	_ =	shalt  }
0x83: {  	_ =	shalt  }
0x84: {  	_ =	shalt  }
0x85: {  	_ =	shalt  }
0x86: {  	_ =	shalt  }
0x87: {  	_ =	shalt  }
.Lfunc_end0:
.L_simem_size_0:
called_computation.1_lowered:
.L_overlay_start_0:
0x88: {  	s2 =	sld [smem:$0x3FD9]  }
0x89: {  	s3 =	sld [smem:$0x3FFE];
	_ =	sdelay $0x1  }
0x8a: {  	s1 =	srdreg.scid  }
0x8b: {  	s0 =	sand.u32 $0x1, s1  }
0x8c: {  	s17 =	sshll.u32 s0, $0xA;
	s2 =	sadd.s32 s3, s2  }
0x8d: {  	s2 =	sadd.s32 s2, s17  }
0x8e: {  	[smem:$0x3FC2] =	sst s2  }
0x8f: {  	_ = 	snop  }
0x90: {  	s2 =	sld [smem:$0x3FD0];
	(tm) =	ssettm $0x1  }
0x91: {  	s18 =	sld [smem:$0x3FFB];
	_ =	sdelay $0x3  }
0x92: {  	_ =	strace s18  }
0x93: {  	s3 =	sld [smem:$0x3FFC];
	_ =	sdelay $0x3  }
0x94: {  	_ =	strace s3  }
0x95: {  	s3 =	sld [smem:$0x3FFD];
	_ =	sdelay $0x3  }
0x96: {  	_ =	strace s3  }
0x97: {  	_ =	strace $0x8FFFFFFF  }
0x98: {  	s19 =	sld [smem:$0x3FDB];
	_ =	sdelay $0x1  }
0x99: {  	s4 =	simm.s32 $_scs_section_size  }
0x9a: {  	s5 =	simm.s32 $_size__tile_overlayer_lowered;
	s6 =	simm.s32 $_tile_overlayer_lowered  }
0x9b: {  	s22 =	simm.s32 $0x1BFF;
	s21 =	sshll.u32 s6, $0x1;
	s3 =	sadd.s32 s4, s19  }
0x9c: {  	s7 =	simm.s32 $0x0;
	s20 =	sshll.u32 s5, $0x1;
	s5 =	sadd.s32 s21, s3  }
0x9d: {  	[timem:s7], [sflag:s22] =	dma.local [hbm:s5], s20  }
0x9e: {  	_ =	swait.ge [sflag:s22], s20  }
0x9f: {  	s4 =	ssub.s32 $0x0, s20;
	[sflag:s22] =	ssyncset.done $0x0  }
0xa0: {  	[sflag:s22] =	ssyncadd.s32 s4;
	_ =	sdelay $0x1  }
0xa1: {  	s23 =	simm.s32 $0x1B8B  }
0xa2: {  	_ =	swait.ge [sflag:s23], $0x1  }
0xa3: {  	[sflag:s23] =	ssyncset.done $0x0  }
0xa4: {  	s25 =	simm.s32 $0x1B8E;
	s24 =	sld [smem:$0x3FFE];
	[sflag:s23] =	ssyncadd.s32 $0xFFFFFFFF  }
0xa5: {  	s26 =	simm.s32 $execute0_lowered;
	[smem:$0x3FD2] =	sst s25  }
0xa6: {  	s5 =	sshll.u32 s26, $0x1;
	_ =	strace $0x80000049;
	[dreg:$0x1] =	wrdreg $0xFFFFFFFF  }
0xa7: {  	s28 =	simm.s32 $_size_execute0_lowered;
	s3 =	sadd.s32 s3, s5;
	[dreg:$0x0] =	wrdreg $0x0  }
0xa8: {  	s5 =	sshll.u32 s28, $0x1;
	[dreg:$0x2] =	wrdreg s3  }
0xa9: {  	[dreg:$0x3] =	wrdreg s5  }
0xaa: {  	[dreg:$0x4] =	wrdreg $0xC0  }
0xab: {  	_ =	task [dreg:s7], $0x5FFFF  }
0xac: {  	[dreg:$0x1] =	wrdreg $0xFFFFFFFF  }
0xad: {  	[dreg:$0x0] =	wrdreg $0x60  }
0xae: {  	[dreg:$0x2] =	wrdreg s2  }
0xaf: {  	[dreg:$0x3] =	wrdreg s24  }
0xb0: {  	[dreg:$0x4] =	wrdreg $0xA8000  }
0xb1: {  	[dreg:$0x5] =	wrdreg $0x9  }
0xb2: {  	_ =	task.clear_ibuf [dreg:s7], $0x6FFFF;
	_ =	strace $0x90000049  }
0xb3: {  	s29 =	simm.s32 $0x9;
	_ =	strace $0x8000004B  }
0xb4: {  	_ =	swait.ge [sflag:s29], $0x1  }
0xb5: {  	[sflag:s29] =	ssyncadd.s32 $0xFFFFFFFF  }
0xb6: {  	_ =	strace $0x9000004B  }
0xb7: {  	_ =	sfence  }
0xb8: {  	s30 =	sld [smem:$0x0];
	_ =	sdelay $0x2  }
0xb9: {  	s31 =	sshll.u32 s1, $0xD;
	s1 =	sshrl.u32 s1, $0x2  }
0xba: {  	s3 =	sand.u32 $0x4000, s31;
	s1 =	sadd.s32 s1, s30  }
0xbb: {  	s0 =	sor.u32 s3, s0;
	s1 =	sshll.u32 s1, $0x11  }
0xbc: {  	s0 =	sor.u32 s1, s0  }
0xbd: {  	s0 =	sadd.s32 $0x8F2B, s0  }
0xbe: {  	[sflag:s0] =	ssyncadd.remote.s32 $0x1  }
0xbf: {  	_ =	sfence.sel $0xFFFF  }
0xc0: {  	[dreg:$0x0] =	wrdreg $0xFFFFFFFF;
	(pc) =	sbr.abs _section_cstart, $3  }
0xc1: {  	[dreg:$0x1] =	wrdreg $0xFFFFFFFF  }
0xc2: {  	_ =	task.clear_ibuf [dreg:s7], $0x2FFFF;
	_ =	strace $0x9FFFFFFF  }
0xc3: {  	(tm) =	ssettm $0x7FFFFFFF  }
tec
execute0_lowered:
.L_overlay_start_1:
0x0: {  	(tag) =	ssettag $0x1  }
0x1: {  	s1 =	rddreg [dreg:$0x0]  }
0x2: {  	s5 =	rddreg [dreg:$0x1]  }
0x3: {  	s3 =	rddreg [dreg:$0x2]  }
0x4: {  	s0 =	rddreg [dreg:$0x3];
	s4 =	simm.s32 $0x0;
	s2 =	stileid.u32  }
0x5: {  	s6 =	srdreg.scid;
	s16 =	simm.s32 $0x80;
	s17 =	simm.s32 $0x2800  }
0x6: {  	s18 =	simm.s32 $0x6800;
	s19 =	simm.s32 $0x1;
	s20 =	simm.s32 $0x2  }
0x7: {  	s21 =	simm.s32 $0x0;
	[smem:$0x7FF] =	sst s4;
	s7 =	smul.u32 $0x14000, s2  }
0x8: {  	s6 =	sand.u32 $0x1, s6;
	s9 =	sadd.s32 $0xC600, s5;
	s10 =	sadd.s32 $0x2600, s5  }
0x9: {  	s12 =	smul.u32 $0x50000, s2;
	s30 =	sshll.u32 s2, $0x6;
	_ =	strace $0x8000004A  }
0xa: {  	s8 =	smul.u32 $0x140000, s6;
	s28 =	sshll.u32 s6, $0x4;
	s6 =	ssub.s32 $0x2, s6  }
0xb: {  	s11 =	sshrl.u32 s7, $0x3;
	s13 =	sshrl.u32 s6, $0x1;
	s29 =	sshrl.u32 s12, $0x2  }
0xc: {  	s11 =	sadd.s32 s11, s5;
	s7 =	sadd.s32 s7, s8;
	s8 =	sor.u32 s2, s28  }
0xd: {  	s13 =	ssub.s32 s6, s13;
	s15 =	sadd.s32 s29, s3;
	s6 =	sor.u32 $0x1C03, s30  }
0xe: {  	s7 =	sshrl.u32 s7, $0x3;
	s8 =	smul.u32 $0x2800, s8;
	s12 =	smax.u32 s13, $0x1  }
0xf: {  	s13 =	sshrl.u32 s15, $0x3;
	s15 =	simm.s32 $0x1400;
	s14 =	sadd.s32 s7, s5  }
0x10: {  	s5 =	sadd.s32 $0x16600, s11;
	s8 =	sshrl.u32 s8, $0x3;
	s11 =	sadd.s32 $0x3E600, s14  }
0x11: {  	s14 =	simm.s32 $0x3;
	s31 =	sadd.s32 $0x280, s8;
	s7 =	sadd.s32 s9, s8  }
0x12: {  	s8 =	sadd.s32 s10, s8;
	s9 =	sadd.s32 s9, s31;
	s10 =	sadd.s32 s10, s31  }
.LBB2_1:
0x13: {  	[spmem:s13], [sflag:s6] =	dma.local [hbm:s5], $0x2800  }
0x14: {  	_ =	swait.ge [sflag:s14], $0x2800  }
0x15: {  	[sflag:s14] =	ssyncset.done $0x0  }
0x16: {  	[sflag:s14] =	ssyncadd.s32 $0xFFFFD800  }
0x17: {  	[bflag:$0x0] =	sbarrier.arrive $0xFFFF  }
0x18: {  	[tilespmem:s4], [sflag:$0x3] =	stream.linear.gather [hbm4b:s7+s4], $0x1400, $0x38;
	[tilespmem:$0x1E800] =	vst v63  }
0x19: {  	_ =	swait.ge [sflag:s14], $0x1400  }
0x1a: {  	[sflag:s14] =	ssyncset.done $0x0  }
0x1b: {  	[sflag:s14] =	ssyncadd.s32 $0xFFFFEC00  }
0x1c: {  	[tilespmem:s15], [sflag:$0x3] =	stream.linear.gather [hbm4b:s8+s4], $0x1400, $0x38;
	[tilespmem:$0x1E800] =	vst v63  }
0x1d: {  	_ =	swait.ge [sflag:s14], $0x1400  }
0x1e: {  	[sflag:s14] =	ssyncset.done $0x0  }
0x1f: {  	s22 =	simm.s32 $0x0;
	[sflag:s14] =	ssyncadd.s32 $0xFFFFEC00  }
0x20: {  	[tilespmem:s17], [sflag:$0x1] =	stream.indirect.gather [hbm4b:s1+s16], $0x80, s22, s16, $0xb8;
	[tilespmem:$0x1E800] =	vst v63  }
0x21: {  	s29 =	simm.s32 $0x80  }
0x22: {  	[tilespmem:s18], [sflag:$0x2] =	stream.indirect.gather [hbm4b:s1+s16], $0x80, s29, s16, $0xb8;
	[tilespmem:$0x1E800] =	vst v63  }
0x23: {  	_ =	swait.ge [sflag:s19], $0x4000  }
0x24: {  	[sflag:s19] =	ssyncset.done $0x0  }
0x25: {  	s30 =	simm.s32 $0x1400;
	[sflag:s19] =	ssyncadd.s32 $0xFFFFC000  }
0x26: {  	[spmem:s3] =	stream.indirect.scatter.add.f32 [tilespmem:s17], [sflag:$0x3], $0x80, s30, s16, $0xb8;
	[tilespmem:$0x1E800] =	vst v63  }
0x27: {  	_ =	swait.ge [sflag:s14], $0x4000  }
0x28: {  	[sflag:s14] =	ssyncset.done $0x0  }
0x29: {  	[sflag:s14] =	ssyncadd.s32 $0xFFFFC000  }
0x2a: {  	_ =	swait.ge [sflag:s20], $0x4000  }
0x2b: {  	[sflag:s20] =	ssyncset.done $0x0  }
0x2c: {  	s31 =	simm.s32 $0x1480;
	[sflag:s20] =	ssyncadd.s32 $0xFFFFC000  }
0x2d: {  	[spmem:s3] =	stream.indirect.scatter.add.f32 [tilespmem:s18], [sflag:$0x3], $0x80, s31, s16, $0xb8;
	[tilespmem:$0x1E800] =	vst v63  }
0x2e: {  	_ =	swait.ge [sflag:s14], $0x4000  }
0x2f: {  	s23 =	simm.s32 $0x800;
	s22 =	simm.s32 $0x400;
	[sflag:s14] =	ssyncset.done $0x0  }
.LBB2_2:
0x30: {  	s24 =	sshra.s32 s22, $0x2  }
0x31: {  	[sflag:s14] =	ssyncadd.s32 $0xFFFFC000;
	s22 =	smov.u32 s23;
	s25 =	sadd.s32 $0x400, s23  }
0x32: {  	[tilespmem:s17], [sflag:$0x1] =	stream.indirect.gather [hbm4b:s1+s16], $0x80, s24, s16, $0xb8;
	[tilespmem:$0x1E800] =	vst v63  }
0x33: {  	p0 =	sne.s32 s23, $0x4C00;
	s23 =	sadd.s32 $0x80, s24  }
0x34: {  	[tilespmem:s18], [sflag:$0x2] =	stream.indirect.gather [hbm4b:s1+s16], $0x80, s23, s16, $0xb8;
	[tilespmem:$0x1E800] =	vst v63  }
0x35: {  	_ =	swait.ge [sflag:s19], $0x4000  }
0x36: {  	[sflag:s19] =	ssyncset.done $0x0  }
0x37: {  	s23 =	sadd.s32 $0x1400, s24;
	[sflag:s19] =	ssyncadd.s32 $0xFFFFC000  }
0x38: {  	[spmem:s3] =	stream.indirect.scatter.add.f32 [tilespmem:s17], [sflag:$0x3], $0x80, s23, s16, $0xb8;
	[tilespmem:$0x1E800] =	vst v63  }
0x39: {  	_ =	swait.ge [sflag:s14], $0x4000  }
0x3a: {  	[sflag:s14] =	ssyncset.done $0x0  }
0x3b: {  	[sflag:s14] =	ssyncadd.s32 $0xFFFFC000  }
0x3c: {  	_ =	swait.ge [sflag:s20], $0x4000  }
.Ltmp0:
0x3d: {  	[sflag:s20] =	ssyncset.done $0x0;
	(pc) =	sbr.rel @p0 .LBB2_2-.Ltmp0, $4  }
0x3e: {  	s23 =	sadd.s32 $0x1480, s24;
	[sflag:s20] =	ssyncadd.s32 $0xFFFFC000  }
0x3f: {  	[spmem:s3] =	stream.indirect.scatter.add.f32 [tilespmem:s18], [sflag:$0x3], $0x80, s23, s16, $0xb8;
	[tilespmem:$0x1E800] =	vst v63  }
0x40: {  	_ =	swait.ge [sflag:s14], $0x4000  }
0x41: {  	s23 =	smov.u32 s25;
	[sflag:s14] =	ssyncset.done $0x0  }
0x42: {  	s22 =	sshra.s32 s22, $0x2;
	[sflag:s14] =	ssyncadd.s32 $0xFFFFC000  }
0x43: {  	[tilespmem:s17], [sflag:$0x1] =	stream.indirect.gather [hbm4b:s1+s16], $0x80, s22, s16, $0xb8;
	[tilespmem:$0x1E800] =	vst v63  }
0x44: {  	s23 =	sadd.s32 $0x80, s22  }
0x45: {  	[tilespmem:s18], [sflag:$0x2] =	stream.indirect.gather [hbm4b:s1+s16], $0x80, s23, s16, $0xb8;
	[tilespmem:$0x1E800] =	vst v63  }
0x46: {  	_ =	swait.ge [sflag:s19], $0x4000  }
0x47: {  	[sflag:s19] =	ssyncset.done $0x0  }
0x48: {  	s25 =	sadd.s32 $0x1400, s22;
	[sflag:s19] =	ssyncadd.s32 $0xFFFFC000  }
0x49: {  	[spmem:s3] =	stream.indirect.scatter.add.f32 [tilespmem:s17], [sflag:$0x3], $0x80, s25, s16, $0xb8;
	[tilespmem:$0x1E800] =	vst v63  }
0x4a: {  	_ =	swait.ge [sflag:s14], $0x4000  }
0x4b: {  	[sflag:s14] =	ssyncset.done $0x0  }
0x4c: {  	[sflag:s14] =	ssyncadd.s32 $0xFFFFC000  }
0x4d: {  	_ =	swait.ge [sflag:s20], $0x4000  }
0x4e: {  	[sflag:s20] =	ssyncset.done $0x0  }
0x4f: {  	s22 =	sadd.s32 $0x1480, s22;
	[sflag:s20] =	ssyncadd.s32 $0xFFFFC000  }
0x50: {  	[spmem:s3] =	stream.indirect.scatter.add.f32 [tilespmem:s18], [sflag:$0x3], $0x80, s22, s16, $0xb8;
	[tilespmem:$0x1E800] =	vst v63  }
0x51: {  	_ =	swait.ge [sflag:s14], $0x4000  }
0x52: {  	[sflag:s14] =	ssyncset.done $0x0  }
0x53: {  	s26 =	simm.s32 $0x0;
	[sflag:s14] =	ssyncadd.s32 $0xFFFFC000  }
0x54: {  	[tilespmem:s26], [sflag:$0x3] =	stream.linear.gather [hbm4b:s9+s26], $0x1400, $0x38;
	[tilespmem:$0x1E800] =	vst v63  }
0x55: {  	_ =	swait.ge [sflag:s14], $0x1400  }
0x56: {  	[sflag:s14] =	ssyncset.done $0x0  }
0x57: {  	[sflag:s14] =	ssyncadd.s32 $0xFFFFEC00  }
0x58: {  	[tilespmem:s15], [sflag:$0x3] =	stream.linear.gather [hbm4b:s10+s26], $0x1400, $0x38;
	[tilespmem:$0x1E800] =	vst v63  }
0x59: {  	_ =	swait.ge [sflag:s14], $0x1400  }
0x5a: {  	[sflag:s14] =	ssyncset.done $0x0  }
0x5b: {  	s28 =	simm.s32 $0x0;
	[sflag:s14] =	ssyncadd.s32 $0xFFFFEC00  }
0x5c: {  	[tilespmem:s17], [sflag:$0x1] =	stream.indirect.gather [hbm4b:s1+s16], $0x80, s28, s16, $0xb8;
	[tilespmem:$0x1E800] =	vst v63  }
0x5d: {  	s29 =	simm.s32 $0x80  }
0x5e: {  	[tilespmem:s18], [sflag:$0x2] =	stream.indirect.gather [hbm4b:s1+s16], $0x80, s29, s16, $0xb8;
	[tilespmem:$0x1E800] =	vst v63  }
0x5f: {  	_ =	swait.ge [sflag:s19], $0x4000  }
0x60: {  	[sflag:s19] =	ssyncset.done $0x0  }
0x61: {  	s30 =	simm.s32 $0x1400;
	[sflag:s19] =	ssyncadd.s32 $0xFFFFC000  }
0x62: {  	[spmem:s3] =	stream.indirect.scatter.add.f32 [tilespmem:s17], [sflag:$0x3], $0x80, s30, s16, $0xb8;
	[tilespmem:$0x1E800] =	vst v63  }
0x63: {  	_ =	swait.ge [sflag:s14], $0x4000  }
0x64: {  	[sflag:s14] =	ssyncset.done $0x0  }
0x65: {  	[sflag:s14] =	ssyncadd.s32 $0xFFFFC000  }
0x66: {  	_ =	swait.ge [sflag:s20], $0x4000  }
0x67: {  	[sflag:s20] =	ssyncset.done $0x0  }
0x68: {  	s31 =	simm.s32 $0x1480;
	[sflag:s20] =	ssyncadd.s32 $0xFFFFC000  }
0x69: {  	[spmem:s3] =	stream.indirect.scatter.add.f32 [tilespmem:s18], [sflag:$0x3], $0x80, s31, s16, $0xb8;
	[tilespmem:$0x1E800] =	vst v63  }
0x6a: {  	_ =	swait.ge [sflag:s14], $0x4000  }
0x6b: {  	s23 =	simm.s32 $0x800;
	s22 =	simm.s32 $0x400;
	[sflag:s14] =	ssyncset.done $0x0  }
.LBB2_4:
0x6c: {  	s24 =	sshra.s32 s22, $0x2  }
0x6d: {  	[sflag:s14] =	ssyncadd.s32 $0xFFFFC000;
	s22 =	smov.u32 s23;
	s25 =	sadd.s32 $0x400, s23  }
0x6e: {  	[tilespmem:s17], [sflag:$0x1] =	stream.indirect.gather [hbm4b:s1+s16], $0x80, s24, s16, $0xb8;
	[tilespmem:$0x1E800] =	vst v63  }
0x6f: {  	p0 =	sne.s32 s23, $0x4C00;
	s23 =	sadd.s32 $0x80, s24  }
0x70: {  	[tilespmem:s18], [sflag:$0x2] =	stream.indirect.gather [hbm4b:s1+s16], $0x80, s23, s16, $0xb8;
	[tilespmem:$0x1E800] =	vst v63  }
0x71: {  	_ =	swait.ge [sflag:s19], $0x4000  }
0x72: {  	[sflag:s19] =	ssyncset.done $0x0  }
0x73: {  	s23 =	sadd.s32 $0x1400, s24;
	[sflag:s19] =	ssyncadd.s32 $0xFFFFC000  }
0x74: {  	[spmem:s3] =	stream.indirect.scatter.add.f32 [tilespmem:s17], [sflag:$0x3], $0x80, s23, s16, $0xb8;
	[tilespmem:$0x1E800] =	vst v63  }
0x75: {  	_ =	swait.ge [sflag:s14], $0x4000  }
0x76: {  	[sflag:s14] =	ssyncset.done $0x0  }
0x77: {  	[sflag:s14] =	ssyncadd.s32 $0xFFFFC000  }
0x78: {  	_ =	swait.ge [sflag:s20], $0x4000  }
.Ltmp1:
0x79: {  	[sflag:s20] =	ssyncset.done $0x0;
	(pc) =	sbr.rel @p0 .LBB2_4-.Ltmp1, $4  }
0x7a: {  	s23 =	sadd.s32 $0x1480, s24;
	[sflag:s20] =	ssyncadd.s32 $0xFFFFC000  }
0x7b: {  	[spmem:s3] =	stream.indirect.scatter.add.f32 [tilespmem:s18], [sflag:$0x3], $0x80, s23, s16, $0xb8;
	[tilespmem:$0x1E800] =	vst v63  }
0x7c: {  	_ =	swait.ge [sflag:s14], $0x4000  }
0x7d: {  	s23 =	smov.u32 s25;
	[sflag:s14] =	ssyncset.done $0x0  }
0x7e: {  	s22 =	sshra.s32 s22, $0x2;
	[sflag:s14] =	ssyncadd.s32 $0xFFFFC000  }
0x7f: {  	[tilespmem:s17], [sflag:$0x1] =	stream.indirect.gather [hbm4b:s1+s16], $0x80, s22, s16, $0xb8;
	[tilespmem:$0x1E800] =	vst v63  }
0x80: {  	s23 =	sadd.s32 $0x80, s22  }
0x81: {  	[tilespmem:s18], [sflag:$0x2] =	stream.indirect.gather [hbm4b:s1+s16], $0x80, s23, s16, $0xb8;
	[tilespmem:$0x1E800] =	vst v63  }
0x82: {  	_ =	swait.ge [sflag:s19], $0x4000  }
0x83: {  	[sflag:s19] =	ssyncset.done $0x0  }
0x84: {  	s31 =	sadd.s32 $0x1400, s22;
	[sflag:s19] =	ssyncadd.s32 $0xFFFFC000  }
0x85: {  	[spmem:s3] =	stream.indirect.scatter.add.f32 [tilespmem:s17], [sflag:$0x3], $0x80, s31, s16, $0xb8;
	[tilespmem:$0x1E800] =	vst v63  }
0x86: {  	_ =	swait.ge [sflag:s14], $0x4000  }
0x87: {  	[sflag:s14] =	ssyncset.done $0x0  }
0x88: {  	[sflag:s14] =	ssyncadd.s32 $0xFFFFC000  }
0x89: {  	_ =	swait.ge [sflag:s20], $0x4000  }
0x8a: {  	[sflag:s20] =	ssyncset.done $0x0  }
0x8b: {  	s22 =	sadd.s32 $0x1480, s22;
	[sflag:s20] =	ssyncadd.s32 $0xFFFFC000  }
0x8c: {  	[spmem:s3] =	stream.indirect.scatter.add.f32 [tilespmem:s18], [sflag:$0x3], $0x80, s22, s16, $0xb8;
	[tilespmem:$0x1E800] =	vst v63  }
0x8d: {  	_ =	swait.ge [sflag:s14], $0x4000  }
0x8e: {  	s21 =	sadd.s32 $0x1, s21;
	[sflag:s14] =	ssyncset.done $0x0  }
0x8f: {  	p0 =	sne.s32 s21, s12;
	[sflag:s14] =	ssyncadd.s32 $0xFFFFC000  }
.Ltmp2:
0x90: {  	[bflag:$0x0] =	sbarrier.arrive $0xFFFF;
	(pc) =	sbr.rel @p0 .LBB2_1-.Ltmp2, $4  }
0x91: {  	[hbm:s11], [sflag:s6] =	dma.local [spmem:s13], $0x2800  }
0x92: {  	_ =	swait.ge [sflag:s14], $0x2800  }
0x93: {  	[sflag:s14] =	ssyncset.done $0x0  }
0x94: {  	[sflag:s14] =	ssyncadd.s32 $0xFFFFD800  }
0x95: {  	_ =	sfence.sel $0x180000  }
0x96: {  	[bflag:$0x0] =	sbarrier.arrive $0xFFFF  }
0x97: {  	p0 =	sne.s32 s2, $0x0;
	_ =	strace $0x9000004A  }
0x98: {  	s0 =	sadd.s32 @!p0 $0x100000, s0;
	[bflag:$0x2] =	sbarrier.arrive $0xFFFF  }
0x99: {  	[sflag:s0] =	ssyncadd.tile.s32 @!p0 $0x1;
	_ =	shalt  }
.Lfunc_end2:
_tile_overlayer_lowered:
.L_overlay_start_2:
0x9a: {  	(tag) =	ssettag $0x2  }
0x9b: {  	s0 =	rddreg [dreg:$0x0];
	s2 =	stileid.u32  }
0x9c: {  	s1 =	rddreg [dreg:$0x1];
	p0 =	sne.s32 s2, $0x0  }
0x9d: {  	s3 =	rddreg [dreg:$0x2];
	[bflag:$0x3] =	sbarrier.arrive $0xFFFF;
	s2 =	simm.s32 @!p0 $0x1C03  }
0x9e: {  	[timem:s3], [sflag:s2] =	dma.local @!p0 [hbm:s0], s1  }
0x9f: {  	s0 =	simm.s32 @!p0 $0x3  }
0xa0: {  	_ =	swait.ge @!p0 [sflag:s0], s1  }
0xa1: {  	s1 =	ssub.s32 @!p0 $0x0, s1;
	[sflag:s0] =	ssyncset.done @!p0 $0x0  }
0xa2: {  	[sflag:s0] =	ssyncadd.s32 @!p0 s1  }
0xa3: {  	[bflag:$0x3] =	sbarrier.arrive $0xFFFF  }
0xa4: {  	_ =	shalt  }

// kernel: kernel.14.cloned.1.call-start
scs
__scs_entry_jumppad:
0x0: {  	(pc) =	sbr.rel $0x88, $3  }
0x1: {  	(tag) =	ssettag $0x0;
	lr =	simm.s32 $0x1  }
0x2: {  	[smem:$0x3F9B] =	sst lr;
	_ =	strace $0xD0000000  }
0x3: {  	_ = 	snop  }
0x4: {  	_ = 	snop  }
0x5: {  	_ = 	snop  }
0x6: {  	_ = 	snop  }
0x7: {  	_ = 	snop  }
__scs_overlays_trampoline_lowered:
0x8: {  	[smem:$0x3FAA] =	sst s0  }
0x9: {  	[smem:$0x3FAB] =	sst s1  }
0xa: {  	[smem:$0x3FAC] =	sst s2  }
0xb: {  	[smem:$0x3FAD] =	sst s3  }
0xc: {  	[smem:$0x3FAE] =	sst s4  }
0xd: {  	[smem:$0x3FAF] =	sst s5  }
0xe: {  	[smem:$0x3FB0] =	sst s6  }
0xf: {  	[smem:$0x3FB1] =	sst s7  }
0x10: {  	[smem:$0x3FB2] =	sst s8  }
0x11: {  	[smem:$0x3FB3] =	sst s9;
	s0 =	simm.s32 @!p0 $0x0  }
0x12: {  	s1 =	sld [smem:$0x3F99];
	s0 =	simm.s32 @p0 $0x1  }
0x13: {  	[smem:$0x3FB4] =	sst s0;
	s0 =	simm.s32 @!p1 $0x0  }
0x14: {  	s2 =	sld [smem:$0x3F98];
	s0 =	simm.s32 @p1 $0x1  }
0x15: {  	[smem:$0x3FB5] =	sst s0;
	s0 =	simm.s32 @!p2 $0x0  }
0x16: {  	s3 =	sld [smem:$0x3FDB];
	s0 =	simm.s32 @p2 $0x1  }
0x17: {  	s4 =	simm.s32 $0x1BF5;
	[smem:$0x3FB7] =	sst s0  }
0x18: {  	s0 =	sld [smem:$0x3F9A];
	_ =	swait.ge [sflag:s4], $0x0  }
0x19: {  	s7 =	sld [smem:$0x3F9B]  }
0x1a: {  	s8 =	sadd.s32 $0xFFFFE003, lr  }
0x1b: {  	s9 =	sadd.s32 $0xFFFFFEF7, lr;
	s5 =	simm.s32 $0xFFFFFFFF;
	p2 =	slt.u32 s8, $0xFFFFF086  }
0x1c: {  	p1 =	slt.u32 s9, $0xF7A;
	s5 =	simm.s32 @!p2 $0x0  }
0x1d: {  	s5 =	simm.s32 @p1 $0x1;
	p0 =	seq.s32 s7, s2  }
0x1e: {  	s7 =	smul.u32 @!p0 $0xF7A, s2;
	p2 =	seq.s32 @!p0 s5, $0x0  }
0x1f: {  	s9 =	smul.u32 $0xF7A, s1;
	s8 =	simm.s32 @!p0 $0x1BF5;
	p2 =	por !p2, p0  }
0x20: {  	[sflag:s8] =	ssyncset.s32 @!p0 $0xFFFFF086;
	s6 =	sadd.s32 @!p0 s3, s7;
	s7 =	simm.s32 @!p0 $0x108  }
0x21: {  	s3 =	sadd.s32 s3, s9;
	s6 =	sadd.s32 @!p0 $0x88, s6;
	s7 =	simm.s32 @p2 $0x1082  }
0x22: {  	[simem:s7], [sflag:s8] =	dma.local @!p0 [hbm:s6], $0xF7A  }
0x23: {  	s9 =	sor.u32 $0xD0000000, s2;
	s6 =	simm.s32 $0x108;
	_ =	swait.ge @!p0 [sflag:s8], $0x0  }
0x24: {  	s3 =	sadd.s32 $0x88, s3;
	s6 =	simm.s32 @!p1 $0x1082;
	[sflag:s4] =	ssyncset.s32 $0xFFFFF086  }
0x25: {  	[simem:s6], [sflag:s4] =	dma.local [hbm:s3], $0xF7A  }
0x26: {  	[smem:$0x3F9B] =	sst s1;
	(tag) =	ssettag s2;
	_ =	strace s9  }
0x27: {  	s1 =	sld [smem:$0x3FAB]  }
0x28: {  	s2 =	sld [smem:$0x3FAC]  }
0x29: {  	s4 =	sld [smem:$0x3FAE]  }
0x2a: {  	p0 =	seq.s32 s5, $0x0;
	s5 =	sld [smem:$0x3FAF]  }
0x2b: {  	s6 =	sld [smem:$0x3FB0]  }
0x2c: {  	s7 =	sld [smem:$0x3FB1]  }
0x2d: {  	s3 =	simm.s32 $0x108;
	s8 =	sld [smem:$0x3FB2]  }
0x2e: {  	s3 =	simm.s32 @!p0 $0x1082;
	s9 =	sld [smem:$0x3FB3]  }
0x2f: {  	lr =	sadd.s32 s0, s3;
	s0 =	sld [smem:$0x3FAA]  }
0x30: {  	s3 =	sld [smem:$0x3FAD]  }
0x31: {  	[smem:$0x3FB6] =	sst s10  }
0x32: {  	s10 =	sld [smem:$0x3FB4];
	_ =	sdelay $0x3  }
0x33: {  	p0 =	seq.s32 s10, $0x1;
	s10 =	sld [smem:$0x3FB6];
	_ =	sdelay $0x3  }
0x34: {  	[smem:$0x3FB6] =	sst s10  }
0x35: {  	s10 =	sld [smem:$0x3FB5];
	_ =	sdelay $0x3  }
0x36: {  	p1 =	seq.s32 s10, $0x1;
	s10 =	sld [smem:$0x3FB6];
	_ =	sdelay $0x3  }
0x37: {  	[smem:$0x3FB6] =	sst s10  }
0x38: {  	s10 =	sld [smem:$0x3FB7]  }
0x39: {  	_ = 	snop;
	(pc) =	sbr.ind lr, $3  }
0x3a: {  	_ = 	snop  }
0x3b: {  	_ = 	snop  }
0x3c: {  	p2 =	seq.s32 s10, $0x1;
	s10 =	sld [smem:$0x3FB6]  }
0x3d: {  	_ =	shalt  }
0x3e: {  	_ =	shalt  }
0x3f: {  	_ =	shalt  }
0x40: {  	_ =	shalt  }
0x41: {  	_ =	shalt  }
0x42: {  	_ =	shalt  }
0x43: {  	_ =	shalt  }
0x44: {  	_ =	shalt  }
0x45: {  	_ =	shalt  }
0x46: {  	_ =	shalt  }
0x47: {  	_ =	shalt  }
0x48: {  	_ =	shalt  }
0x49: {  	_ =	shalt  }
0x4a: {  	_ =	shalt  }
0x4b: {  	_ =	shalt  }
0x4c: {  	_ =	shalt  }
0x4d: {  	_ =	shalt  }
0x4e: {  	_ =	shalt  }
0x4f: {  	_ =	shalt  }
0x50: {  	_ =	shalt  }
0x51: {  	_ =	shalt  }
0x52: {  	_ =	shalt  }
0x53: {  	_ =	shalt  }
0x54: {  	_ =	shalt  }
0x55: {  	_ =	shalt  }
0x56: {  	_ =	shalt  }
0x57: {  	_ =	shalt  }
0x58: {  	_ =	shalt  }
0x59: {  	_ =	shalt  }
0x5a: {  	_ =	shalt  }
0x5b: {  	_ =	shalt  }
0x5c: {  	_ =	shalt  }
0x5d: {  	_ =	shalt  }
0x5e: {  	_ =	shalt  }
0x5f: {  	_ =	shalt  }
0x60: {  	_ =	shalt  }
0x61: {  	_ =	shalt  }
0x62: {  	_ =	shalt  }
0x63: {  	_ =	shalt  }
0x64: {  	_ =	shalt  }
0x65: {  	_ =	shalt  }
0x66: {  	_ =	shalt  }
0x67: {  	_ =	shalt  }
0x68: {  	_ =	shalt  }
0x69: {  	_ =	shalt  }
0x6a: {  	_ =	shalt  }
0x6b: {  	_ =	shalt  }
0x6c: {  	_ =	shalt  }
0x6d: {  	_ =	shalt  }
0x6e: {  	_ =	shalt  }
0x6f: {  	_ =	shalt  }
0x70: {  	_ =	shalt  }
0x71: {  	_ =	shalt  }
0x72: {  	_ =	shalt  }
0x73: {  	_ =	shalt  }
0x74: {  	_ =	shalt  }
0x75: {  	_ =	shalt  }
0x76: {  	_ =	shalt  }
0x77: {  	_ =	shalt  }
0x78: {  	_ =	shalt  }
0x79: {  	_ =	shalt  }
0x7a: {  	_ =	shalt  }
0x7b: {  	_ =	shalt  }
0x7c: {  	_ =	shalt  }
0x7d: {  	_ =	shalt  }
0x7e: {  	_ =	shalt  }
0x7f: {  	_ =	shalt  }
0x80: {  	_ =	shalt  }
0x81: {  	_ =	shalt  }
0x82: {  	_ =	shalt  }
0x83: {  	_ =	shalt  }
0x84: {  	_ =	shalt  }
0x85: {  	_ =	shalt  }
0x86: {  	_ =	shalt  }
0x87: {  	_ =	shalt  }
.Lfunc_end0:
.L_simem_size_0:
called_computation.2_lowered:
.L_overlay_start_0:
0x88: {  	s2 =	sld [smem:$0x3FD9]  }
0x89: {  	s3 =	sld [smem:$0x3FFE];
	_ =	sdelay $0x1  }
0x8a: {  	s1 =	srdreg.scid  }
0x8b: {  	s0 =	sand.u32 $0x1, s1  }
0x8c: {  	s17 =	sshll.u32 s0, $0xA;
	s2 =	sadd.s32 s3, s2  }
0x8d: {  	s2 =	sadd.s32 s2, s17  }
0x8e: {  	[smem:$0x3FC2] =	sst s2  }
0x8f: {  	_ = 	snop  }
0x90: {  	s2 =	sld [smem:$0x3FD0];
	(tm) =	ssettm $0x1  }
0x91: {  	s18 =	sld [smem:$0x3FFB];
	_ =	sdelay $0x3  }
0x92: {  	_ =	strace s18  }
0x93: {  	s3 =	sld [smem:$0x3FFC];
	_ =	sdelay $0x3  }
0x94: {  	_ =	strace s3  }
0x95: {  	s3 =	sld [smem:$0x3FFD];
	_ =	sdelay $0x3  }
0x96: {  	_ =	strace s3  }
0x97: {  	_ =	strace $0x8FFFFFFF  }
0x98: {  	s19 =	sld [smem:$0x3FDB];
	_ =	sdelay $0x1  }
0x99: {  	s4 =	simm.s32 $_scs_section_size  }
0x9a: {  	s5 =	simm.s32 $_size__tile_overlayer_lowered;
	s6 =	simm.s32 $_tile_overlayer_lowered  }
0x9b: {  	s22 =	simm.s32 $0x1BFF;
	s21 =	sshll.u32 s6, $0x1;
	s3 =	sadd.s32 s4, s19  }
0x9c: {  	s7 =	simm.s32 $0x0;
	s20 =	sshll.u32 s5, $0x1;
	s5 =	sadd.s32 s21, s3  }
0x9d: {  	[timem:s7], [sflag:s22] =	dma.local [hbm:s5], s20  }
0x9e: {  	_ =	swait.ge [sflag:s22], s20  }
0x9f: {  	s4 =	ssub.s32 $0x0, s20;
	[sflag:s22] =	ssyncset.done $0x0  }
0xa0: {  	[sflag:s22] =	ssyncadd.s32 s4;
	_ =	sdelay $0x1  }
0xa1: {  	s23 =	simm.s32 $0x1B8B  }
0xa2: {  	_ =	swait.ge [sflag:s23], $0x1  }
0xa3: {  	[sflag:s23] =	ssyncset.done $0x0  }
0xa4: {  	s25 =	simm.s32 $0x1B8E;
	s24 =	sld [smem:$0x3FFE];
	[sflag:s23] =	ssyncadd.s32 $0xFFFFFFFF  }
0xa5: {  	s26 =	simm.s32 $execute0_lowered;
	[smem:$0x3FD2] =	sst s25  }
0xa6: {  	s5 =	sshll.u32 s26, $0x1;
	_ =	strace $0x8000004C;
	[dreg:$0x1] =	wrdreg $0xFFFFFFFF  }
0xa7: {  	s28 =	simm.s32 $_size_execute0_lowered;
	s3 =	sadd.s32 s3, s5;
	[dreg:$0x0] =	wrdreg $0x0  }
0xa8: {  	s5 =	sshll.u32 s28, $0x1;
	[dreg:$0x2] =	wrdreg s3  }
0xa9: {  	[dreg:$0x3] =	wrdreg s5  }
0xaa: {  	[dreg:$0x4] =	wrdreg $0xC0  }
0xab: {  	_ =	task [dreg:s7], $0x5FFFF  }
0xac: {  	[dreg:$0x1] =	wrdreg $0xFFFFFFFF  }
0xad: {  	[dreg:$0x0] =	wrdreg $0x60  }
0xae: {  	[dreg:$0x2] =	wrdreg s2  }
0xaf: {  	[dreg:$0x3] =	wrdreg s24  }
0xb0: {  	[dreg:$0x4] =	wrdreg $0xA8000  }
0xb1: {  	[dreg:$0x5] =	wrdreg $0x9  }
0xb2: {  	_ =	task.clear_ibuf [dreg:s7], $0x6FFFF;
	_ =	strace $0x9000004C  }
0xb3: {  	s29 =	simm.s32 $0x9;
	_ =	strace $0x8000004E  }
0xb4: {  	_ =	swait.ge [sflag:s29], $0x1  }
0xb5: {  	[sflag:s29] =	ssyncadd.s32 $0xFFFFFFFF  }
0xb6: {  	_ =	strace $0x9000004E  }
0xb7: {  	_ =	sfence  }
0xb8: {  	s30 =	sld [smem:$0x0];
	_ =	sdelay $0x2  }
0xb9: {  	s31 =	sshll.u32 s1, $0xD;
	s1 =	sshrl.u32 s1, $0x2  }
0xba: {  	s3 =	sand.u32 $0x4000, s31;
	s1 =	sadd.s32 s1, s30  }
0xbb: {  	s0 =	sor.u32 s3, s0;
	s1 =	sshll.u32 s1, $0x11  }
0xbc: {  	s0 =	sor.u32 s1, s0  }
0xbd: {  	s0 =	sadd.s32 $0x8F2B, s0  }
0xbe: {  	[sflag:s0] =	ssyncadd.remote.s32 $0x1  }
0xbf: {  	_ =	sfence.sel $0xFFFF  }
0xc0: {  	[dreg:$0x0] =	wrdreg $0xFFFFFFFF;
	(pc) =	sbr.abs _section_cstart, $3  }
0xc1: {  	[dreg:$0x1] =	wrdreg $0xFFFFFFFF  }
0xc2: {  	_ =	task.clear_ibuf [dreg:s7], $0x2FFFF;
	_ =	strace $0x9FFFFFFF  }
0xc3: {  	(tm) =	ssettm $0x7FFFFFFF  }
tec
execute0_lowered:
.L_overlay_start_1:
0x0: {  	(tag) =	ssettag $0x1  }
0x1: {  	s1 =	rddreg [dreg:$0x0]  }
0x2: {  	s5 =	rddreg [dreg:$0x1]  }
0x3: {  	s3 =	rddreg [dreg:$0x2]  }
0x4: {  	s0 =	rddreg [dreg:$0x3];
	s4 =	simm.s32 $0x0;
	s2 =	stileid.u32  }
0x5: {  	s6 =	srdreg.scid;
	s16 =	simm.s32 $0x80;
	s17 =	simm.s32 $0x2800  }
0x6: {  	s18 =	simm.s32 $0x6800;
	s19 =	simm.s32 $0x1;
	s20 =	simm.s32 $0x2  }
0x7: {  	s21 =	simm.s32 $0x0;
	[smem:$0x7FF] =	sst s4;
	s7 =	smul.u32 $0x14000, s2  }
0x8: {  	s6 =	sand.u32 $0x1, s6;
	s9 =	sadd.s32 $0xC600, s5;
	s10 =	sadd.s32 $0x2600, s5  }
0x9: {  	s12 =	smul.u32 $0x50000, s2;
	s30 =	sshll.u32 s2, $0x6;
	_ =	strace $0x8000004D  }
0xa: {  	s8 =	smul.u32 $0x140000, s6;
	s28 =	sshll.u32 s6, $0x4;
	s6 =	ssub.s32 $0x2, s6  }
0xb: {  	s11 =	sshrl.u32 s7, $0x3;
	s13 =	sshrl.u32 s6, $0x1;
	s29 =	sshrl.u32 s12, $0x2  }
0xc: {  	s11 =	sadd.s32 s11, s5;
	s7 =	sadd.s32 s7, s8;
	s8 =	sor.u32 s2, s28  }
0xd: {  	s13 =	ssub.s32 s6, s13;
	s15 =	sadd.s32 s29, s3;
	s6 =	sor.u32 $0x1C03, s30  }
0xe: {  	s7 =	sshrl.u32 s7, $0x3;
	s8 =	smul.u32 $0x2800, s8;
	s12 =	smax.u32 s13, $0x1  }
0xf: {  	s13 =	sshrl.u32 s15, $0x3;
	s15 =	simm.s32 $0x1400;
	s14 =	sadd.s32 s7, s5  }
0x10: {  	s5 =	sadd.s32 $0x16600, s11;
	s8 =	sshrl.u32 s8, $0x3;
	s11 =	sadd.s32 $0x3E600, s14  }
0x11: {  	s14 =	simm.s32 $0x3;
	s31 =	sadd.s32 $0x280, s8;
	s7 =	sadd.s32 s9, s8  }
0x12: {  	s8 =	sadd.s32 s10, s8;
	s9 =	sadd.s32 s9, s31;
	s10 =	sadd.s32 s10, s31  }
.LBB2_1:
0x13: {  	[spmem:s13], [sflag:s6] =	dma.local [hbm:s5], $0x2800  }
0x14: {  	_ =	swait.ge [sflag:s14], $0x2800  }
0x15: {  	[sflag:s14] =	ssyncset.done $0x0  }
0x16: {  	[sflag:s14] =	ssyncadd.s32 $0xFFFFD800  }
0x17: {  	[bflag:$0x0] =	sbarrier.arrive $0xFFFF  }
0x18: {  	[tilespmem:s4], [sflag:$0x3] =	stream.linear.gather [hbm4b:s7+s4], $0x1400, $0x38;
	[tilespmem:$0x1E800] =	vst v63  }
0x19: {  	_ =	swait.ge [sflag:s14], $0x1400  }
0x1a: {  	[sflag:s14] =	ssyncset.done $0x0  }
0x1b: {  	[sflag:s14] =	ssyncadd.s32 $0xFFFFEC00  }
0x1c: {  	[tilespmem:s15], [sflag:$0x3] =	stream.linear.gather [hbm4b:s8+s4], $0x1400, $0x38;
	[tilespmem:$0x1E800] =	vst v63  }
0x1d: {  	_ =	swait.ge [sflag:s14], $0x1400  }
0x1e: {  	[sflag:s14] =	ssyncset.done $0x0  }
0x1f: {  	s22 =	simm.s32 $0x0;
	[sflag:s14] =	ssyncadd.s32 $0xFFFFEC00  }
0x20: {  	[tilespmem:s17], [sflag:$0x1] =	stream.indirect.gather [hbm4b:s1+s16], $0x80, s22, s16, $0xb8;
	[tilespmem:$0x1E800] =	vst v63  }
0x21: {  	s29 =	simm.s32 $0x80  }
0x22: {  	[tilespmem:s18], [sflag:$0x2] =	stream.indirect.gather [hbm4b:s1+s16], $0x80, s29, s16, $0xb8;
	[tilespmem:$0x1E800] =	vst v63  }
0x23: {  	_ =	swait.ge [sflag:s19], $0x4000  }
0x24: {  	[sflag:s19] =	ssyncset.done $0x0  }
0x25: {  	s30 =	simm.s32 $0x1400;
	[sflag:s19] =	ssyncadd.s32 $0xFFFFC000  }
0x26: {  	[spmem:s3] =	stream.indirect.scatter.add.f32 [tilespmem:s17], [sflag:$0x3], $0x80, s30, s16, $0xb8;
	[tilespmem:$0x1E800] =	vst v63  }
0x27: {  	_ =	swait.ge [sflag:s14], $0x4000  }
0x28: {  	[sflag:s14] =	ssyncset.done $0x0  }
0x29: {  	[sflag:s14] =	ssyncadd.s32 $0xFFFFC000  }
0x2a: {  	_ =	swait.ge [sflag:s20], $0x4000  }
0x2b: {  	[sflag:s20] =	ssyncset.done $0x0  }
0x2c: {  	s31 =	simm.s32 $0x1480;
	[sflag:s20] =	ssyncadd.s32 $0xFFFFC000  }
0x2d: {  	[spmem:s3] =	stream.indirect.scatter.add.f32 [tilespmem:s18], [sflag:$0x3], $0x80, s31, s16, $0xb8;
	[tilespmem:$0x1E800] =	vst v63  }
0x2e: {  	_ =	swait.ge [sflag:s14], $0x4000  }
0x2f: {  	s23 =	simm.s32 $0x800;
	s22 =	simm.s32 $0x400;
	[sflag:s14] =	ssyncset.done $0x0  }
.LBB2_2:
0x30: {  	s24 =	sshra.s32 s22, $0x2  }
0x31: {  	[sflag:s14] =	ssyncadd.s32 $0xFFFFC000;
	s22 =	smov.u32 s23;
	s25 =	sadd.s32 $0x400, s23  }
0x32: {  	[tilespmem:s17], [sflag:$0x1] =	stream.indirect.gather [hbm4b:s1+s16], $0x80, s24, s16, $0xb8;
	[tilespmem:$0x1E800] =	vst v63  }
0x33: {  	p0 =	sne.s32 s23, $0x4C00;
	s23 =	sadd.s32 $0x80, s24  }
0x34: {  	[tilespmem:s18], [sflag:$0x2] =	stream.indirect.gather [hbm4b:s1+s16], $0x80, s23, s16, $0xb8;
	[tilespmem:$0x1E800] =	vst v63  }
0x35: {  	_ =	swait.ge [sflag:s19], $0x4000  }
0x36: {  	[sflag:s19] =	ssyncset.done $0x0  }
0x37: {  	s23 =	sadd.s32 $0x1400, s24;
	[sflag:s19] =	ssyncadd.s32 $0xFFFFC000  }
0x38: {  	[spmem:s3] =	stream.indirect.scatter.add.f32 [tilespmem:s17], [sflag:$0x3], $0x80, s23, s16, $0xb8;
	[tilespmem:$0x1E800] =	vst v63  }
0x39: {  	_ =	swait.ge [sflag:s14], $0x4000  }
0x3a: {  	[sflag:s14] =	ssyncset.done $0x0  }
0x3b: {  	[sflag:s14] =	ssyncadd.s32 $0xFFFFC000  }
0x3c: {  	_ =	swait.ge [sflag:s20], $0x4000  }
.Ltmp0:
0x3d: {  	[sflag:s20] =	ssyncset.done $0x0;
	(pc) =	sbr.rel @p0 .LBB2_2-.Ltmp0, $4  }
0x3e: {  	s23 =	sadd.s32 $0x1480, s24;
	[sflag:s20] =	ssyncadd.s32 $0xFFFFC000  }
0x3f: {  	[spmem:s3] =	stream.indirect.scatter.add.f32 [tilespmem:s18], [sflag:$0x3], $0x80, s23, s16, $0xb8;
	[tilespmem:$0x1E800] =	vst v63  }
0x40: {  	_ =	swait.ge [sflag:s14], $0x4000  }
0x41: {  	s23 =	smov.u32 s25;
	[sflag:s14] =	ssyncset.done $0x0  }
0x42: {  	s22 =	sshra.s32 s22, $0x2;
	[sflag:s14] =	ssyncadd.s32 $0xFFFFC000  }
0x43: {  	[tilespmem:s17], [sflag:$0x1] =	stream.indirect.gather [hbm4b:s1+s16], $0x80, s22, s16, $0xb8;
	[tilespmem:$0x1E800] =	vst v63  }
0x44: {  	s23 =	sadd.s32 $0x80, s22  }
0x45: {  	[tilespmem:s18], [sflag:$0x2] =	stream.indirect.gather [hbm4b:s1+s16], $0x80, s23, s16, $0xb8;
	[tilespmem:$0x1E800] =	vst v63  }
0x46: {  	_ =	swait.ge [sflag:s19], $0x4000  }
0x47: {  	[sflag:s19] =	ssyncset.done $0x0  }
0x48: {  	s25 =	sadd.s32 $0x1400, s22;
	[sflag:s19] =	ssyncadd.s32 $0xFFFFC000  }
0x49: {  	[spmem:s3] =	stream.indirect.scatter.add.f32 [tilespmem:s17], [sflag:$0x3], $0x80, s25, s16, $0xb8;
	[tilespmem:$0x1E800] =	vst v63  }
0x4a: {  	_ =	swait.ge [sflag:s14], $0x4000  }
0x4b: {  	[sflag:s14] =	ssyncset.done $0x0  }
0x4c: {  	[sflag:s14] =	ssyncadd.s32 $0xFFFFC000  }
0x4d: {  	_ =	swait.ge [sflag:s20], $0x4000  }
0x4e: {  	[sflag:s20] =	ssyncset.done $0x0  }
0x4f: {  	s22 =	sadd.s32 $0x1480, s22;
	[sflag:s20] =	ssyncadd.s32 $0xFFFFC000  }
0x50: {  	[spmem:s3] =	stream.indirect.scatter.add.f32 [tilespmem:s18], [sflag:$0x3], $0x80, s22, s16, $0xb8;
	[tilespmem:$0x1E800] =	vst v63  }
0x51: {  	_ =	swait.ge [sflag:s14], $0x4000  }
0x52: {  	[sflag:s14] =	ssyncset.done $0x0  }
0x53: {  	s26 =	simm.s32 $0x0;
	[sflag:s14] =	ssyncadd.s32 $0xFFFFC000  }
0x54: {  	[tilespmem:s26], [sflag:$0x3] =	stream.linear.gather [hbm4b:s9+s26], $0x1400, $0x38;
	[tilespmem:$0x1E800] =	vst v63  }
0x55: {  	_ =	swait.ge [sflag:s14], $0x1400  }
0x56: {  	[sflag:s14] =	ssyncset.done $0x0  }
0x57: {  	[sflag:s14] =	ssyncadd.s32 $0xFFFFEC00  }
0x58: {  	[tilespmem:s15], [sflag:$0x3] =	stream.linear.gather [hbm4b:s10+s26], $0x1400, $0x38;
	[tilespmem:$0x1E800] =	vst v63  }
0x59: {  	_ =	swait.ge [sflag:s14], $0x1400  }
0x5a: {  	[sflag:s14] =	ssyncset.done $0x0  }
0x5b: {  	s28 =	simm.s32 $0x0;
	[sflag:s14] =	ssyncadd.s32 $0xFFFFEC00  }
0x5c: {  	[tilespmem:s17], [sflag:$0x1] =	stream.indirect.gather [hbm4b:s1+s16], $0x80, s28, s16, $0xb8;
	[tilespmem:$0x1E800] =	vst v63  }
0x5d: {  	s29 =	simm.s32 $0x80  }
0x5e: {  	[tilespmem:s18], [sflag:$0x2] =	stream.indirect.gather [hbm4b:s1+s16], $0x80, s29, s16, $0xb8;
	[tilespmem:$0x1E800] =	vst v63  }
0x5f: {  	_ =	swait.ge [sflag:s19], $0x4000  }
0x60: {  	[sflag:s19] =	ssyncset.done $0x0  }
0x61: {  	s30 =	simm.s32 $0x1400;
	[sflag:s19] =	ssyncadd.s32 $0xFFFFC000  }
0x62: {  	[spmem:s3] =	stream.indirect.scatter.add.f32 [tilespmem:s17], [sflag:$0x3], $0x80, s30, s16, $0xb8;
	[tilespmem:$0x1E800] =	vst v63  }
0x63: {  	_ =	swait.ge [sflag:s14], $0x4000  }
0x64: {  	[sflag:s14] =	ssyncset.done $0x0  }
0x65: {  	[sflag:s14] =	ssyncadd.s32 $0xFFFFC000  }
0x66: {  	_ =	swait.ge [sflag:s20], $0x4000  }
0x67: {  	[sflag:s20] =	ssyncset.done $0x0  }
0x68: {  	s31 =	simm.s32 $0x1480;
	[sflag:s20] =	ssyncadd.s32 $0xFFFFC000  }
0x69: {  	[spmem:s3] =	stream.indirect.scatter.add.f32 [tilespmem:s18], [sflag:$0x3], $0x80, s31, s16, $0xb8;
	[tilespmem:$0x1E800] =	vst v63  }
0x6a: {  	_ =	swait.ge [sflag:s14], $0x4000  }
0x6b: {  	s23 =	simm.s32 $0x800;
	s22 =	simm.s32 $0x400;
	[sflag:s14] =	ssyncset.done $0x0  }
.LBB2_4:
0x6c: {  	s24 =	sshra.s32 s22, $0x2  }
0x6d: {  	[sflag:s14] =	ssyncadd.s32 $0xFFFFC000;
	s22 =	smov.u32 s23;
	s25 =	sadd.s32 $0x400, s23  }
0x6e: {  	[tilespmem:s17], [sflag:$0x1] =	stream.indirect.gather [hbm4b:s1+s16], $0x80, s24, s16, $0xb8;
	[tilespmem:$0x1E800] =	vst v63  }
0x6f: {  	p0 =	sne.s32 s23, $0x4C00;
	s23 =	sadd.s32 $0x80, s24  }
0x70: {  	[tilespmem:s18], [sflag:$0x2] =	stream.indirect.gather [hbm4b:s1+s16], $0x80, s23, s16, $0xb8;
	[tilespmem:$0x1E800] =	vst v63  }
0x71: {  	_ =	swait.ge [sflag:s19], $0x4000  }
0x72: {  	[sflag:s19] =	ssyncset.done $0x0  }
0x73: {  	s23 =	sadd.s32 $0x1400, s24;
	[sflag:s19] =	ssyncadd.s32 $0xFFFFC000  }
0x74: {  	[spmem:s3] =	stream.indirect.scatter.add.f32 [tilespmem:s17], [sflag:$0x3], $0x80, s23, s16, $0xb8;
	[tilespmem:$0x1E800] =	vst v63  }
0x75: {  	_ =	swait.ge [sflag:s14], $0x4000  }
0x76: {  	[sflag:s14] =	ssyncset.done $0x0  }
0x77: {  	[sflag:s14] =	ssyncadd.s32 $0xFFFFC000  }
0x78: {  	_ =	swait.ge [sflag:s20], $0x4000  }
.Ltmp1:
0x79: {  	[sflag:s20] =	ssyncset.done $0x0;
	(pc) =	sbr.rel @p0 .LBB2_4-.Ltmp1, $4  }
0x7a: {  	s23 =	sadd.s32 $0x1480, s24;
	[sflag:s20] =	ssyncadd.s32 $0xFFFFC000  }
0x7b: {  	[spmem:s3] =	stream.indirect.scatter.add.f32 [tilespmem:s18], [sflag:$0x3], $0x80, s23, s16, $0xb8;
	[tilespmem:$0x1E800] =	vst v63  }
0x7c: {  	_ =	swait.ge [sflag:s14], $0x4000  }
0x7d: {  	s23 =	smov.u32 s25;
	[sflag:s14] =	ssyncset.done $0x0  }
0x7e: {  	s22 =	sshra.s32 s22, $0x2;
	[sflag:s14] =	ssyncadd.s32 $0xFFFFC000  }
0x7f: {  	[tilespmem:s17], [sflag:$0x1] =	stream.indirect.gather [hbm4b:s1+s16], $0x80, s22, s16, $0xb8;
	[tilespmem:$0x1E800] =	vst v63  }
0x80: {  	s23 =	sadd.s32 $0x80, s22  }
0x81: {  	[tilespmem:s18], [sflag:$0x2] =	stream.indirect.gather [hbm4b:s1+s16], $0x80, s23, s16, $0xb8;
	[tilespmem:$0x1E800] =	vst v63  }
0x82: {  	_ =	swait.ge [sflag:s19], $0x4000  }
0x83: {  	[sflag:s19] =	ssyncset.done $0x0  }
0x84: {  	s31 =	sadd.s32 $0x1400, s22;
	[sflag:s19] =	ssyncadd.s32 $0xFFFFC000  }
0x85: {  	[spmem:s3] =	stream.indirect.scatter.add.f32 [tilespmem:s17], [sflag:$0x3], $0x80, s31, s16, $0xb8;
	[tilespmem:$0x1E800] =	vst v63  }
0x86: {  	_ =	swait.ge [sflag:s14], $0x4000  }
0x87: {  	[sflag:s14] =	ssyncset.done $0x0  }
0x88: {  	[sflag:s14] =	ssyncadd.s32 $0xFFFFC000  }
0x89: {  	_ =	swait.ge [sflag:s20], $0x4000  }
0x8a: {  	[sflag:s20] =	ssyncset.done $0x0  }
0x8b: {  	s22 =	sadd.s32 $0x1480, s22;
	[sflag:s20] =	ssyncadd.s32 $0xFFFFC000  }
0x8c: {  	[spmem:s3] =	stream.indirect.scatter.add.f32 [tilespmem:s18], [sflag:$0x3], $0x80, s22, s16, $0xb8;
	[tilespmem:$0x1E800] =	vst v63  }
0x8d: {  	_ =	swait.ge [sflag:s14], $0x4000  }
0x8e: {  	s21 =	sadd.s32 $0x1, s21;
	[sflag:s14] =	ssyncset.done $0x0  }
0x8f: {  	p0 =	sne.s32 s21, s12;
	[sflag:s14] =	ssyncadd.s32 $0xFFFFC000  }
.Ltmp2:
0x90: {  	[bflag:$0x0] =	sbarrier.arrive $0xFFFF;
	(pc) =	sbr.rel @p0 .LBB2_1-.Ltmp2, $4  }
0x91: {  	[hbm:s11], [sflag:s6] =	dma.local [spmem:s13], $0x2800  }
0x92: {  	_ =	swait.ge [sflag:s14], $0x2800  }
0x93: {  	[sflag:s14] =	ssyncset.done $0x0  }
0x94: {  	[sflag:s14] =	ssyncadd.s32 $0xFFFFD800  }
0x95: {  	_ =	sfence.sel $0x180000  }
0x96: {  	[bflag:$0x0] =	sbarrier.arrive $0xFFFF  }
0x97: {  	p0 =	sne.s32 s2, $0x0;
	_ =	strace $0x9000004D  }
0x98: {  	s0 =	sadd.s32 @!p0 $0x100000, s0;
	[bflag:$0x2] =	sbarrier.arrive $0xFFFF  }
0x99: {  	[sflag:s0] =	ssyncadd.tile.s32 @!p0 $0x1;
	_ =	shalt  }
.Lfunc_end2:
_tile_overlayer_lowered:
.L_overlay_start_2:
0x9a: {  	(tag) =	ssettag $0x2  }
0x9b: {  	s0 =	rddreg [dreg:$0x0];
	s2 =	stileid.u32  }
0x9c: {  	s1 =	rddreg [dreg:$0x1];
	p0 =	sne.s32 s2, $0x0  }
0x9d: {  	s3 =	rddreg [dreg:$0x2];
	[bflag:$0x3] =	sbarrier.arrive $0xFFFF;
	s2 =	simm.s32 @!p0 $0x1C03  }
0x9e: {  	[timem:s3], [sflag:s2] =	dma.local @!p0 [hbm:s0], s1  }
0x9f: {  	s0 =	simm.s32 @!p0 $0x3  }
0xa0: {  	_ =	swait.ge @!p0 [sflag:s0], s1  }
0xa1: {  	s1 =	ssub.s32 @!p0 $0x0, s1;
	[sflag:s0] =	ssyncset.done @!p0 $0x0  }
0xa2: {  	[sflag:s0] =	ssyncadd.s32 @!p0 s1  }
0xa3: {  	[bflag:$0x3] =	sbarrier.arrive $0xFFFF  }
0xa4: {  	_ =	shalt  }

// kernel: kernel.8.cloned.1.call-start
scs
__scs_entry_jumppad:
0x0: {  	(pc) =	sbr.rel $0x88, $3  }
0x1: {  	(tag) =	ssettag $0x0;
	lr =	simm.s32 $0x1  }
0x2: {  	[smem:$0x3F9B] =	sst lr;
	_ =	strace $0xD0000000  }
0x3: {  	_ = 	snop  }
0x4: {  	_ = 	snop  }
0x5: {  	_ = 	snop  }
0x6: {  	_ = 	snop  }
0x7: {  	_ = 	snop  }
__scs_overlays_trampoline_lowered:
0x8: {  	[smem:$0x3FAA] =	sst s0  }
0x9: {  	[smem:$0x3FAB] =	sst s1  }
0xa: {  	[smem:$0x3FAC] =	sst s2  }
0xb: {  	[smem:$0x3FAD] =	sst s3  }
0xc: {  	[smem:$0x3FAE] =	sst s4  }
0xd: {  	[smem:$0x3FAF] =	sst s5  }
0xe: {  	[smem:$0x3FB0] =	sst s6  }
0xf: {  	[smem:$0x3FB1] =	sst s7  }
0x10: {  	[smem:$0x3FB2] =	sst s8  }
0x11: {  	[smem:$0x3FB3] =	sst s9;
	s0 =	simm.s32 @!p0 $0x0  }
0x12: {  	s1 =	sld [smem:$0x3F99];
	s0 =	simm.s32 @p0 $0x1  }
0x13: {  	[smem:$0x3FB4] =	sst s0;
	s0 =	simm.s32 @!p1 $0x0  }
0x14: {  	s2 =	sld [smem:$0x3F98];
	s0 =	simm.s32 @p1 $0x1  }
0x15: {  	[smem:$0x3FB5] =	sst s0;
	s0 =	simm.s32 @!p2 $0x0  }
0x16: {  	s3 =	sld [smem:$0x3FDB];
	s0 =	simm.s32 @p2 $0x1  }
0x17: {  	s4 =	simm.s32 $0x1BF5;
	[smem:$0x3FB7] =	sst s0  }
0x18: {  	s0 =	sld [smem:$0x3F9A];
	_ =	swait.ge [sflag:s4], $0x0  }
0x19: {  	s7 =	sld [smem:$0x3F9B]  }
0x1a: {  	s8 =	sadd.s32 $0xFFFFE003, lr  }
0x1b: {  	s9 =	sadd.s32 $0xFFFFFEF7, lr;
	s5 =	simm.s32 $0xFFFFFFFF;
	p2 =	slt.u32 s8, $0xFFFFF086  }
0x1c: {  	p1 =	slt.u32 s9, $0xF7A;
	s5 =	simm.s32 @!p2 $0x0  }
0x1d: {  	s5 =	simm.s32 @p1 $0x1;
	p0 =	seq.s32 s7, s2  }
0x1e: {  	s7 =	smul.u32 @!p0 $0xF7A, s2;
	p2 =	seq.s32 @!p0 s5, $0x0  }
0x1f: {  	s9 =	smul.u32 $0xF7A, s1;
	s8 =	simm.s32 @!p0 $0x1BF5;
	p2 =	por !p2, p0  }
0x20: {  	[sflag:s8] =	ssyncset.s32 @!p0 $0xFFFFF086;
	s6 =	sadd.s32 @!p0 s3, s7;
	s7 =	simm.s32 @!p0 $0x108  }
0x21: {  	s3 =	sadd.s32 s3, s9;
	s6 =	sadd.s32 @!p0 $0x88, s6;
	s7 =	simm.s32 @p2 $0x1082  }
0x22: {  	[simem:s7], [sflag:s8] =	dma.local @!p0 [hbm:s6], $0xF7A  }
0x23: {  	s9 =	sor.u32 $0xD0000000, s2;
	s6 =	simm.s32 $0x108;
	_ =	swait.ge @!p0 [sflag:s8], $0x0  }
0x24: {  	s3 =	sadd.s32 $0x88, s3;
	s6 =	simm.s32 @!p1 $0x1082;
	[sflag:s4] =	ssyncset.s32 $0xFFFFF086  }
0x25: {  	[simem:s6], [sflag:s4] =	dma.local [hbm:s3], $0xF7A  }
0x26: {  	[smem:$0x3F9B] =	sst s1;
	(tag) =	ssettag s2;
	_ =	strace s9  }
0x27: {  	s1 =	sld [smem:$0x3FAB]  }
0x28: {  	s2 =	sld [smem:$0x3FAC]  }
0x29: {  	s4 =	sld [smem:$0x3FAE]  }
0x2a: {  	p0 =	seq.s32 s5, $0x0;
	s5 =	sld [smem:$0x3FAF]  }
0x2b: {  	s6 =	sld [smem:$0x3FB0]  }
0x2c: {  	s7 =	sld [smem:$0x3FB1]  }
0x2d: {  	s3 =	simm.s32 $0x108;
	s8 =	sld [smem:$0x3FB2]  }
0x2e: {  	s3 =	simm.s32 @!p0 $0x1082;
	s9 =	sld [smem:$0x3FB3]  }
0x2f: {  	lr =	sadd.s32 s0, s3;
	s0 =	sld [smem:$0x3FAA]  }
0x30: {  	s3 =	sld [smem:$0x3FAD]  }
0x31: {  	[smem:$0x3FB6] =	sst s10  }
0x32: {  	s10 =	sld [smem:$0x3FB4];
	_ =	sdelay $0x3  }
0x33: {  	p0 =	seq.s32 s10, $0x1;
	s10 =	sld [smem:$0x3FB6];
	_ =	sdelay $0x3  }
0x34: {  	[smem:$0x3FB6] =	sst s10  }
0x35: {  	s10 =	sld [smem:$0x3FB5];
	_ =	sdelay $0x3  }
0x36: {  	p1 =	seq.s32 s10, $0x1;
	s10 =	sld [smem:$0x3FB6];
	_ =	sdelay $0x3  }
0x37: {  	[smem:$0x3FB6] =	sst s10  }
0x38: {  	s10 =	sld [smem:$0x3FB7]  }
0x39: {  	_ = 	snop;
	(pc) =	sbr.ind lr, $3  }
0x3a: {  	_ = 	snop  }
0x3b: {  	_ = 	snop  }
0x3c: {  	p2 =	seq.s32 s10, $0x1;
	s10 =	sld [smem:$0x3FB6]  }
0x3d: {  	_ =	shalt  }
0x3e: {  	_ =	shalt  }
0x3f: {  	_ =	shalt  }
0x40: {  	_ =	shalt  }
0x41: {  	_ =	shalt  }
0x42: {  	_ =	shalt  }
0x43: {  	_ =	shalt  }
0x44: {  	_ =	shalt  }
0x45: {  	_ =	shalt  }
0x46: {  	_ =	shalt  }
0x47: {  	_ =	shalt  }
0x48: {  	_ =	shalt  }
0x49: {  	_ =	shalt  }
0x4a: {  	_ =	shalt  }
0x4b: {  	_ =	shalt  }
0x4c: {  	_ =	shalt  }
0x4d: {  	_ =	shalt  }
0x4e: {  	_ =	shalt  }
0x4f: {  	_ =	shalt  }
0x50: {  	_ =	shalt  }
0x51: {  	_ =	shalt  }
0x52: {  	_ =	shalt  }
0x53: {  	_ =	shalt  }
0x54: {  	_ =	shalt  }
0x55: {  	_ =	shalt  }
0x56: {  	_ =	shalt  }
0x57: {  	_ =	shalt  }
0x58: {  	_ =	shalt  }
0x59: {  	_ =	shalt  }
0x5a: {  	_ =	shalt  }
0x5b: {  	_ =	shalt  }
0x5c: {  	_ =	shalt  }
0x5d: {  	_ =	shalt  }
0x5e: {  	_ =	shalt  }
0x5f: {  	_ =	shalt  }
0x60: {  	_ =	shalt  }
0x61: {  	_ =	shalt  }
0x62: {  	_ =	shalt  }
0x63: {  	_ =	shalt  }
0x64: {  	_ =	shalt  }
0x65: {  	_ =	shalt  }
0x66: {  	_ =	shalt  }
0x67: {  	_ =	shalt  }
0x68: {  	_ =	shalt  }
0x69: {  	_ =	shalt  }
0x6a: {  	_ =	shalt  }
0x6b: {  	_ =	shalt  }
0x6c: {  	_ =	shalt  }
0x6d: {  	_ =	shalt  }
0x6e: {  	_ =	shalt  }
0x6f: {  	_ =	shalt  }
0x70: {  	_ =	shalt  }
0x71: {  	_ =	shalt  }
0x72: {  	_ =	shalt  }
0x73: {  	_ =	shalt  }
0x74: {  	_ =	shalt  }
0x75: {  	_ =	shalt  }
0x76: {  	_ =	shalt  }
0x77: {  	_ =	shalt  }
0x78: {  	_ =	shalt  }
0x79: {  	_ =	shalt  }
0x7a: {  	_ =	shalt  }
0x7b: {  	_ =	shalt  }
0x7c: {  	_ =	shalt  }
0x7d: {  	_ =	shalt  }
0x7e: {  	_ =	shalt  }
0x7f: {  	_ =	shalt  }
0x80: {  	_ =	shalt  }
0x81: {  	_ =	shalt  }
0x82: {  	_ =	shalt  }
0x83: {  	_ =	shalt  }
0x84: {  	_ =	shalt  }
0x85: {  	_ =	shalt  }
0x86: {  	_ =	shalt  }
0x87: {  	_ =	shalt  }
.Lfunc_end0:
.L_simem_size_0:
called_computation_lowered:
.L_overlay_start_0:
0x88: {  	s2 =	sld [smem:$0x3FD9]  }
0x89: {  	s3 =	sld [smem:$0x3FFE];
	_ =	sdelay $0x1  }
0x8a: {  	s1 =	srdreg.scid  }
0x8b: {  	s0 =	sand.u32 $0x1, s1  }
0x8c: {  	s17 =	sshll.u32 s0, $0xA;
	s2 =	sadd.s32 s3, s2  }
0x8d: {  	s2 =	sadd.s32 s2, s17  }
0x8e: {  	[smem:$0x3FC2] =	sst s2  }
0x8f: {  	_ = 	snop  }
0x90: {  	s2 =	sld [smem:$0x3FD0];
	(tm) =	ssettm $0x1  }
0x91: {  	s18 =	sld [smem:$0x3FFB];
	_ =	sdelay $0x3  }
0x92: {  	_ =	strace s18  }
0x93: {  	s3 =	sld [smem:$0x3FFC];
	_ =	sdelay $0x3  }
0x94: {  	_ =	strace s3  }
0x95: {  	s3 =	sld [smem:$0x3FFD];
	_ =	sdelay $0x3  }
0x96: {  	_ =	strace s3  }
0x97: {  	_ =	strace $0x8FFFFFFF  }
0x98: {  	s19 =	sld [smem:$0x3FDB];
	_ =	sdelay $0x1  }
0x99: {  	s4 =	simm.s32 $_scs_section_size  }
0x9a: {  	s5 =	simm.s32 $_size__tile_overlayer_lowered;
	s6 =	simm.s32 $_tile_overlayer_lowered  }
0x9b: {  	s22 =	simm.s32 $0x1BFF;
	s21 =	sshll.u32 s6, $0x1;
	s3 =	sadd.s32 s4, s19  }
0x9c: {  	s7 =	simm.s32 $0x0;
	s20 =	sshll.u32 s5, $0x1;
	s5 =	sadd.s32 s21, s3  }
0x9d: {  	[timem:s7], [sflag:s22] =	dma.local [hbm:s5], s20  }
0x9e: {  	_ =	swait.ge [sflag:s22], s20  }
0x9f: {  	s4 =	ssub.s32 $0x0, s20;
	[sflag:s22] =	ssyncset.done $0x0  }
0xa0: {  	[sflag:s22] =	ssyncadd.s32 s4;
	_ =	sdelay $0x1  }
0xa1: {  	s23 =	simm.s32 $0x1B8B  }
0xa2: {  	_ =	swait.ge [sflag:s23], $0x1  }
0xa3: {  	[sflag:s23] =	ssyncset.done $0x0  }
0xa4: {  	s25 =	simm.s32 $0x1B8E;
	s24 =	sld [smem:$0x3FFE];
	[sflag:s23] =	ssyncadd.s32 $0xFFFFFFFF  }
0xa5: {  	s26 =	simm.s32 $execute0_lowered;
	[smem:$0x3FD2] =	sst s25  }
0xa6: {  	s5 =	sshll.u32 s26, $0x1;
	_ =	strace $0x80000046;
	[dreg:$0x1] =	wrdreg $0xFFFFFFFF  }
0xa7: {  	s28 =	simm.s32 $_size_execute0_lowered;
	s3 =	sadd.s32 s3, s5;
	[dreg:$0x0] =	wrdreg $0x0  }
0xa8: {  	s5 =	sshll.u32 s28, $0x1;
	[dreg:$0x2] =	wrdreg s3  }
0xa9: {  	[dreg:$0x3] =	wrdreg s5  }
0xaa: {  	[dreg:$0x4] =	wrdreg $0xC0  }
0xab: {  	_ =	task [dreg:s7], $0x5FFFF  }
0xac: {  	[dreg:$0x1] =	wrdreg $0xFFFFFFFF  }
0xad: {  	[dreg:$0x0] =	wrdreg $0x60  }
0xae: {  	[dreg:$0x2] =	wrdreg s24  }
0xaf: {  	[dreg:$0x3] =	wrdreg s2  }
0xb0: {  	[dreg:$0x4] =	wrdreg $0x9  }
0xb1: {  	_ =	task.clear_ibuf [dreg:s7], $0x5FFFF;
	_ =	strace $0x90000046  }
0xb2: {  	s29 =	simm.s32 $0x9;
	_ =	strace $0x80000048  }
0xb3: {  	_ =	swait.ge [sflag:s29], $0x1  }
0xb4: {  	[sflag:s29] =	ssyncadd.s32 $0xFFFFFFFF  }
0xb5: {  	_ =	strace $0x90000048  }
0xb6: {  	_ =	sfence  }
0xb7: {  	s30 =	sld [smem:$0x0];
	_ =	sdelay $0x2  }
0xb8: {  	s31 =	sshll.u32 s1, $0xD;
	s1 =	sshrl.u32 s1, $0x2  }
0xb9: {  	s3 =	sand.u32 $0x4000, s31;
	s1 =	sadd.s32 s1, s30  }
0xba: {  	s0 =	sor.u32 s3, s0;
	s1 =	sshll.u32 s1, $0x11  }
0xbb: {  	s0 =	sor.u32 s1, s0  }
0xbc: {  	s0 =	sadd.s32 $0x8F2B, s0  }
0xbd: {  	[sflag:s0] =	ssyncadd.remote.s32 $0x1  }
0xbe: {  	_ =	sfence.sel $0xFFFF  }
0xbf: {  	[dreg:$0x0] =	wrdreg $0xFFFFFFFF;
	(pc) =	sbr.abs _section_cstart, $3  }
0xc0: {  	[dreg:$0x1] =	wrdreg $0xFFFFFFFF  }
0xc1: {  	_ =	task.clear_ibuf [dreg:s7], $0x2FFFF;
	_ =	strace $0x9FFFFFFF  }
0xc2: {  	(tm) =	ssettm $0x7FFFFFFF  }
0xc3: {  	_ =	shalt  }
tec
execute0_lowered:
.L_overlay_start_1:
0x0: {  	(tag) =	ssettag $0x1  }
0x1: {  	s3 =	rddreg [dreg:$0x0]  }
0x2: {  	s0 =	srdreg.scid;
	s5 =	rddreg [dreg:$0x1]  }
0x3: {  	s1 =	stileid.u32;
	s2 =	simm.s32 $0x0;
	s9 =	simm.s32 $0x2800  }
0x4: {  	s10 =	simm.s32 $0x80;
	s11 =	simm.s32 $0x400;
	s4 =	sand.u32 $0x1, s0  }
0x5: {  	s12 =	simm.s32 $0x0;
	s0 =	rddreg [dreg:$0x2];
	s6 =	sshll.u32 s4, $0x4  }
0x6: {  	[smem:$0x7FF] =	sst s2;
	s8 =	sshll.u32 s1, $0x7;
	s6 =	sor.u32 s1, s6  }
0x7: {  	s4 =	ssub.s32 $0x2, s4;
	s7 =	smul.u32 $0x2800, s6;
	s6 =	sshrl.u32 s6, $0x3  }
0x8: {  	_ =	strace $0x80000047;
	s30 =	sshrl.u32 s4, $0x1;
	s6 =	smul.u32 $0x14000, s6  }
0x9: {  	s8 =	sand.u32 $0x380, s8;
	s31 =	ssub.s32 s4, s30;
	s7 =	sshrl.u32 s7, $0x3  }
0xa: {  	s7 =	sadd.s32 s7, s3;
	s6 =	sor.u32 s8, s6;
	s8 =	simm.s32 $0x1400  }
0xb: {  	s3 =	sadd.s32 $0x2600, s7;
	s6 =	sshrl.u32 s6, $0x3;
	s4 =	sadd.s32 $0x2880, s7  }
0xc: {  	v0 =	vimm.f32 $0.0e+00;
	v1 =	vimm.f32 $1.000000000e+00;
	s7 =	simm.s32 $0x1;
	s5 =	sadd.s32 s5, s6;
	s6 =	smax.u32 s31, $0x1  }
.LBB2_1:
0xd: {  	[tilespmem:s2], [sflag:$0x1] =	stream.linear.gather [hbm4b:s3+s2], $0x1400, $0x38;
	[tilespmem:$0x5000] =	vst v63  }
0xe: {  	_ =	swait.ge [sflag:s7], $0x1400  }
0xf: {  	[sflag:s7] =	ssyncset.done $0x0  }
0x10: {  	[sflag:s7] =	ssyncadd.s32 $0xFFFFEC00  }
0x11: {  	[tilespmem:s8], [sflag:$0x1] =	stream.linear.gather [hbm4b:s4+s2], $0x1400, $0x38;
	[tilespmem:$0x5000] =	vst v63  }
0x12: {  	_ =	swait.ge [sflag:s7], $0x1400  }
0x13: {  	[sflag:s7] =	ssyncset.done $0x0  }
0x14: {  	s13 =	simm.s32 $0x0;
	[sflag:s7] =	ssyncadd.s32 $0xFFFFEC00  }
.LBB2_2:
0x15: {  	p0 =	sne.s32 s13, $0x9FC0  }
.Ltmp0:
0x16: {  	_ = 	snop;
	(pc) =	sbr.rel @p0 .LBB2_2-.Ltmp0, $3  }
0x17: {  	_ =	sdelay $0x1  }
0x18: {  	s14 =	sshra.s32 s13, $0x2  }
0x19: {  	s13 =	sadd.s32 $0x40, s13;
	[tilespmem:s14+$0x2800] =	vst v0  }
0x1a: {  	s13 =	simm.s32 $0x0  }
.LBB2_4:
0x1b: {  	s14 =	sshra.s32 s13, $0x2  }
0x1c: {  	v2 =	vld [tilespmem:s14+$0x0];
	_ =	sdelay $0x7  }
0x1d: {  	[tilespmem:v2+s9+$0x0] =	vst.idx.add.f32.msk $0xffff, v1  }
0x1e: {  	v2 =	vld [tilespmem:s14+$0x10];
	_ =	sdelay $0x7  }
0x1f: {  	[tilespmem:v2+s9+$0x0] =	vst.idx.add.f32.msk $0xffff, v1  }
0x20: {  	v2 =	vld [tilespmem:s14+$0x20];
	_ =	sdelay $0x7  }
0x21: {  	[tilespmem:v2+s9+$0x0] =	vst.idx.add.f32.msk $0xffff, v1  }
0x22: {  	v2 =	vld [tilespmem:s14+$0x30];
	_ =	sdelay $0x7  }
0x23: {  	[tilespmem:v2+s9+$0x0] =	vst.idx.add.f32.msk $0xffff, v1  }
0x24: {  	v2 =	vld [tilespmem:s14+$0x40];
	_ =	sdelay $0x7  }
0x25: {  	[tilespmem:v2+s9+$0x0] =	vst.idx.add.f32.msk $0xffff, v1  }
0x26: {  	v2 =	vld [tilespmem:s14+$0x50];
	_ =	sdelay $0x7  }
0x27: {  	[tilespmem:v2+s9+$0x0] =	vst.idx.add.f32.msk $0xffff, v1  }
0x28: {  	v2 =	vld [tilespmem:s14+$0x60];
	_ =	sdelay $0x7  }
0x29: {  	[tilespmem:v2+s9+$0x0] =	vst.idx.add.f32.msk $0xffff, v1  }
0x2a: {  	v2 =	vld [tilespmem:s14+$0x70];
	_ =	sdelay $0x2  }
0x2b: {  	p0 =	sne.s32 s13, $0x9E00  }
.Ltmp1:
0x2c: {  	_ = 	snop;
	(pc) =	sbr.rel @p0 .LBB2_4-.Ltmp1, $2  }
0x2d: {  	_ =	sdelay $0x2  }
0x2e: {  	s13 =	sadd.s32 $0x200, s13;
	[tilespmem:v2+s9+$0x0] =	vst.idx.add.f32.msk $0xffff, v1  }
0x2f: {  	s12 =	sadd.s32 $0x1, s12  }
0x30: {  	p0 =	sne.s32 s12, s6  }
.Ltmp2:
0x31: {  	_ = 	snop;
	(pc) =	sbr.rel @p0 .LBB2_1-.Ltmp2, $4  }
0x32: {  	[hbm4b:s5+s10] =	stream.strided.scatter [tilespmem:s9], [sflag:$0x1], $0x2800, s11, s10, $0x38;
	[tilespmem:$0x5000] =	vst v63  }
0x33: {  	_ =	swait.ge [sflag:s7], $0x2800  }
0x34: {  	[sflag:s7] =	ssyncset.done $0x0  }
0x35: {  	[sflag:s7] =	ssyncadd.s32 $0xFFFFD800  }
0x36: {  	_ =	sfence.sel $0x180000  }
0x37: {  	[bflag:$0x0] =	sbarrier.arrive $0xFFFF  }
0x38: {  	p0 =	sne.s32 s1, $0x0;
	_ =	strace $0x90000047  }
0x39: {  	s0 =	sadd.s32 @!p0 $0x100000, s0;
	[bflag:$0x2] =	sbarrier.arrive $0xFFFF  }
0x3a: {  	[sflag:s0] =	ssyncadd.tile.s32 @!p0 $0x1;
	_ =	shalt  }
.Lfunc_end2:
_tile_overlayer_lowered:
.L_overlay_start_2:
0x3b: {  	(tag) =	ssettag $0x2  }
0x3c: {  	s0 =	rddreg [dreg:$0x0];
	s2 =	stileid.u32  }
0x3d: {  	s1 =	rddreg [dreg:$0x1];
	p0 =	sne.s32 s2, $0x0  }
0x3e: {  	s3 =	rddreg [dreg:$0x2];
	[bflag:$0x3] =	sbarrier.arrive $0xFFFF;
	s2 =	simm.s32 @!p0 $0x1C01  }
0x3f: {  	[timem:s3], [sflag:s2] =	dma.local @!p0 [hbm:s0], s1  }
0x40: {  	s0 =	simm.s32 @!p0 $0x1  }
0x41: {  	_ =	swait.ge @!p0 [sflag:s0], s1  }
0x42: {  	s1 =	ssub.s32 @!p0 $0x0, s1;
	[sflag:s0] =	ssyncset.done @!p0 $0x0  }
0x43: {  	[sflag:s0] =	ssyncadd.s32 @!p0 s1  }
0x44: {  	[bflag:$0x3] =	sbarrier.arrive $0xFFFF  }
0x45: {  	_ =	shalt  }

</sc_bundles>
